<compile_context>
chip_gen: v7x
topology: tpu7x:2x2x1
jax: 0.10.2.dev20260603
libtpu: 0.0.44.dev20260713+nightly
codegen_flags: <defaults>
</compile_context>

<pallas_src>
import functools

import jax
import jax.numpy as jnp
from jax import lax
from jax.experimental import pallas as pl
from jax.experimental.pallas import tpu as pltpu
from jax.experimental.pallas import tpu_sc as plsc

NC = 2
NS = 16
LANES = 16


def kernel(user_ids, item_ids, user_table, item_table, user_bias_table,
           item_bias_table, global_bias):
    B = user_ids.shape[0]
    D = user_table.shape[1]
    NW = NC * NS
    b_per_w = B // NW
    CH = 128
    n_ch = b_per_w // CH
    n_d = D // LANES

    mesh = plsc.VectorSubcoreMesh(core_axis_name="c", subcore_axis_name="s",
                                  num_cores=NC, num_subcores=NS)

    @functools.partial(
        pl.kernel,
        out_type=jax.ShapeDtypeStruct((B,), jnp.float32),
        mesh=mesh,
        compiler_params=pltpu.CompilerParams(needs_layout_passes=False),
        scratch_types=[
            pltpu.VMEM((b_per_w,), jnp.int32),
            pltpu.VMEM((b_per_w,), jnp.int32),
            pltpu.VMEM((2, CH, D), jnp.float32),
            pltpu.VMEM((2, CH, D), jnp.float32),
            pltpu.VMEM((b_per_w,), jnp.float32),
            pltpu.VMEM((b_per_w,), jnp.float32),
            pltpu.VMEM((b_per_w,), jnp.float32),
            pltpu.VMEM((LANES,), jnp.float32),
            pltpu.VMEM((LANES * LANES,), jnp.float32),
            pltpu.SemaphoreType.DMA,
            pltpu.SemaphoreType.DMA,
            pltpu.SemaphoreType.DMA,
        ],
    )
    def mf_kernel(uids_hbm, iids_hbm, ut_hbm, it_hbm, ubt_hbm, ibt_hbm,
                  gb_hbm, out_hbm, uidx, iidx, urows, irows, ub, ib,
                  outb, gbv, part, sem0, sem1, semb):
        wid = lax.axis_index("s") * NC + lax.axis_index("c")
        base = wid * b_per_w
        sems = (sem0, sem1)

        cg = pltpu.async_copy(gb_hbm, gbv.at[pl.ds(0, 1)], semb)
        c0 = pltpu.async_copy(uids_hbm.at[pl.ds(base, b_per_w)], uidx, sem0)
        c1 = pltpu.async_copy(iids_hbm.at[pl.ds(base, b_per_w)], iidx, sem1)
        c0.wait()
        c1.wait()
        cg.wait()
        gbias = gbv[pl.ds(0, LANES)][0]

        lanes = lax.iota(jnp.int32, LANES)

        sched = [(c * CH, CH) for c in range(n_ch)]

        def fire_rows(k):
            s = k % 2
            off, sz = sched[k]
            ui = uidx.at[pl.ds(off, sz)]
            ii = iidx.at[pl.ds(off, sz)]
            du = urows.at[s].at[pl.ds(0, sz)]
            di = irows.at[s].at[pl.ds(0, sz)]
            return (
                pltpu.async_copy(ut_hbm.at[ui], du, sems[s]),
                pltpu.async_copy(it_hbm.at[ii], di, sems[s]),
            )

        def fire_bias(c):
            ui = uidx.at[pl.ds(c * CH, CH)]
            ii = iidx.at[pl.ds(c * CH, CH)]
            dst_u = ub.at[pl.ds(c * CH, CH)]
            dst_i = ib.at[pl.ds(c * CH, CH)]
            return (
                pltpu.async_copy(ubt_hbm.at[0].at[ui], dst_u, semb),
                pltpu.async_copy(ibt_hbm.at[0].at[ii], dst_i, semb),
            )

        n_k = len(sched)
        pending = {0: fire_rows(0), 1: fire_rows(1)}
        bias_cps = []
        for k in range(n_k):
            if k < n_ch:
                bias_cps.extend(fire_bias(k))
            if 1 <= k and k + 1 < n_k:
                pending[k + 1] = fire_rows(k + 1)
            for cp in pending.pop(k):
                cp.wait()
            s = k % 2
            off, sz = sched[k]
            u2 = urows.at[s]
            i2 = irows.at[s]

            def grp_body(g, carry):
                r0 = g * LANES

                def row_body(j, carry2):
                    r = r0 + j

                    def d_body(d, acc):
                        return acc + (u2[r, pl.ds(d * LANES, LANES)] *
                                      i2[r, pl.ds(d * LANES, LANES)])

                    acc = lax.fori_loop(
                        1, n_d, d_body,
                        u2[r, pl.ds(0, LANES)] * i2[r, pl.ds(0, LANES)])
                    part[pl.ds(j * LANES, LANES)] = acc
                    return carry2

                lax.fori_loop(0, LANES, row_body, 0)
                rowsel = lanes * LANES
                dots = plsc.load_gather(part, [rowsel])
                for l in range(1, LANES):
                    dots = dots + plsc.load_gather(part, [rowsel + l])
                outb[pl.ds(off + r0, LANES)] = dots
                return carry

            lax.fori_loop(0, sz // LANES, grp_body, 0)

        for cp in bias_cps:
            cp.wait()

        def bias_body(g, carry):
            r0 = g * LANES
            sl = pl.ds(r0, LANES)
            outb[sl] = outb[sl] + ub[sl] + ib[sl] + gbias
            return carry

        lax.fori_loop(0, b_per_w // LANES, bias_body, 0)

        pltpu.sync_copy(outb, out_hbm.at[pl.ds(base, b_per_w)])

    out = mf_kernel(user_ids, item_ids, user_table, item_table,
                    user_bias_table.T, item_bias_table.T, global_bias)
    return out.reshape(B, 1)

# --- scband reference (transcript-rebuilt; emitter-appended) ---
"""Pipeline reference for scband-simple-mfmodel-11115375362237 (READ-ONLY COPY).

The authoritative reference and input builder live on the scoring server;
editing this copy changes nothing except your own understanding.
"""

import jax, jax.numpy as jnp
import numpy as np

NUM_USERS = 100000
NUM_ITEMS = 100000
EMBED_DIM = 128
BATCH = 16384

def _xavier_uniform(key, shape):
    fan_in, fan_out = shape[1], shape[0]
    limit = float(np.sqrt(6.0 / (fan_in + fan_out)))
    return jax.random.uniform(key, shape, dtype=jnp.float32, minval=-limit, maxval=limit)

def setup_inputs(seed: int = 0) -> dict:
    key = jax.random.key(seed)
    k1, k2, k3, k4 = jax.random.split(key, 4)
    user_ids = jax.random.randint(k1, (BATCH,), 0, NUM_USERS, dtype=jnp.int64 if jax.config.jax_enable_x64 else jnp.int32)
    item_ids = jax.random.randint(k2, (BATCH,), 0, NUM_ITEMS, dtype=jnp.int64 if jax.config.jax_enable_x64 else jnp.int32)
    user_table = _xavier_uniform(k3, (NUM_USERS, EMBED_DIM))
    item_table = _xavier_uniform(k4, (NUM_ITEMS, EMBED_DIM))
    user_bias_table = jnp.zeros((NUM_USERS, 1), dtype=jnp.float32)
    item_bias_table = jnp.zeros((NUM_ITEMS, 1), dtype=jnp.float32)
    global_bias = jnp.zeros((1,), dtype=jnp.float32)
    return {
        "user_ids": user_ids,
        "item_ids": item_ids,
        "user_table": user_table,
        "item_table": item_table,
        "user_bias_table": user_bias_table,
        "item_bias_table": item_bias_table,
        "global_bias": global_bias,
    }

def reference(user_ids, item_ids, user_table, item_table, user_bias_table, item_bias_table, global_bias):
    user_emb = jnp.take(user_table, user_ids, axis=0)   # [B, D]
    item_emb = jnp.take(item_table, item_ids, axis=0)   # [B, D]
    dot_product = jnp.sum(user_emb * item_emb, axis=-1, keepdims=True)  # [B, 1]
    user_b = jnp.take(user_bias_table, user_ids, axis=0)  # [B, 1]
    item_b = jnp.take(item_bias_table, item_ids, axis=0)  # [B, 1]
    prediction = dot_product + user_b + item_b + global_bias
    return prediction

if __name__ == "__main__":
    import jax
    _d = setup_inputs()
    print(jax.jit(kernel)(*tuple(_d.values())))

</pallas_src>

<mosaic_0001>
#map = affine_map<(d0, d1) -> (0)>
#map1 = affine_map<(d0, d1) -> (0, 0)>
module attributes {stable_mosaic.version = 14 : i64} {
  func.func @mf_kernel(%arg0: i32, %arg1: i32, %arg2: memref<16384xi32, #tpu.memory_space<hbm>>, %arg3: memref<16384xi32, #tpu.memory_space<hbm>>, %arg4: memref<100000x128xf32, #tpu.memory_space<hbm>>, %arg5: memref<100000x128xf32, #tpu.memory_space<hbm>>, %arg6: memref<1x100000xf32, #tpu.memory_space<hbm>>, %arg7: memref<1x100000xf32, #tpu.memory_space<hbm>>, %arg8: memref<1xf32, #tpu.memory_space<hbm>>, %arg9: memref<16384xf32, #tpu.memory_space<hbm>>, %arg10: memref<512xi32, #tpu.memory_space<vmem>>, %arg11: memref<512xi32, #tpu.memory_space<vmem>>, %arg12: memref<2x128x128xf32, #tpu.memory_space<vmem>>, %arg13: memref<2x128x128xf32, #tpu.memory_space<vmem>>, %arg14: memref<512xf32, #tpu.memory_space<vmem>>, %arg15: memref<512xf32, #tpu.memory_space<vmem>>, %arg16: memref<512xf32, #tpu.memory_space<vmem>>, %arg17: memref<16xf32, #tpu.memory_space<vmem>>, %arg18: memref<256xf32, #tpu.memory_space<vmem>>, %arg19: memref<!tpu.dma_semaphore, #tpu.memory_space<semaphore_mem>>, %arg20: memref<!tpu.dma_semaphore, #tpu.memory_space<semaphore_mem>>, %arg21: memref<!tpu.dma_semaphore, #tpu.memory_space<semaphore_mem>>) attributes {dimension_semantics = [#tpu.dimension_semantics<core_parallel>, #tpu.dimension_semantics<subcore_parallel>], iteration_bounds = array<i64: 2, 16>, scalar_prefetch = 0 : i64, scratch_operands = 12 : i64, tpu.core_type = #tpu.core_type<sc_vector_subcore>, window_params = [{transform_indices = #map}, {transform_indices = #map}, {transform_indices = #map1}, {transform_indices = #map1}, {transform_indices = #map1}, {transform_indices = #map1}, {transform_indices = #map}, {transform_indices = #map}]} {
    %mul3A = arith.constant 2 : i32
    %mul3A_0 = arith.muli %arg1, %mul3A : i32
    %add3A = arith.addi %mul3A_0, %arg0 : i32
    %mul3A_1 = arith.constant 512 : i32
    %mul3A_2 = arith.muli %add3A, %mul3A_1 : i32
    %dma_start3A = arith.constant 0 : i32
    %dma_start3A_3 = tpu.memref_slice %arg17[%dma_start3A] : memref<16xf32, #tpu.memory_space<vmem>> -> memref<1xf32, #tpu.memory_space<vmem>>
    %dma_start3A_4 = arith.constant 0 : i32
    %dma_start3A_5 = tpu.memref_slice %arg17[%dma_start3A_4] : memref<16xf32, #tpu.memory_space<vmem>> -> memref<1xf32, #tpu.memory_space<vmem>>
    tpu.enqueue_dma source(%arg8 : memref<1xf32, #tpu.memory_space<hbm>>) target(%dma_start3A_5 : memref<1xf32, #tpu.memory_space<vmem>>) target_semaphore(%arg21 : memref<!tpu.dma_semaphore, #tpu.memory_space<semaphore_mem>>)
    %dma_start3A_6 = tpu.memref_slice %arg2[%mul3A_2] : memref<16384xi32, #tpu.memory_space<hbm>> -> memref<512xi32, #tpu.memory_space<hbm>>
    %dma_start3A_7 = tpu.memref_slice %arg2[%mul3A_2] : memref<16384xi32, #tpu.memory_space<hbm>> -> memref<512xi32, #tpu.memory_space<hbm>>
    tpu.enqueue_dma source(%dma_start3A_7 : memref<512xi32, #tpu.memory_space<hbm>>) target(%arg10 : memref<512xi32, #tpu.memory_space<vmem>>) target_semaphore(%arg19 : memref<!tpu.dma_semaphore, #tpu.memory_space<semaphore_mem>>)
    %dma_start3A_8 = tpu.memref_slice %arg3[%mul3A_2] : memref<16384xi32, #tpu.memory_space<hbm>> -> memref<512xi32, #tpu.memory_space<hbm>>
    %dma_start3A_9 = tpu.memref_slice %arg3[%mul3A_2] : memref<16384xi32, #tpu.memory_space<hbm>> -> memref<512xi32, #tpu.memory_space<hbm>>
    tpu.enqueue_dma source(%dma_start3A_9 : memref<512xi32, #tpu.memory_space<hbm>>) target(%arg11 : memref<512xi32, #tpu.memory_space<vmem>>) target_semaphore(%arg20 : memref<!tpu.dma_semaphore, #tpu.memory_space<semaphore_mem>>)
    %dma_wait3A = tpu.memref_slice %arg2[%mul3A_2] : memref<16384xi32, #tpu.memory_space<hbm>> -> memref<512xi32, #tpu.memory_space<hbm>>
    %dma_wait3A_10 = tpu.memref_slice %arg2[%mul3A_2] : memref<16384xi32, #tpu.memory_space<hbm>> -> memref<512xi32, #tpu.memory_space<hbm>>
    tpu.wait_dma2 semaphore(%arg19 : memref<!tpu.dma_semaphore, #tpu.memory_space<semaphore_mem>>) src(%dma_wait3A_10 : memref<512xi32, #tpu.memory_space<hbm>>) dst(%arg10 : memref<512xi32, #tpu.memory_space<vmem>>)
    %dma_wait3A_11 = tpu.memref_slice %arg3[%mul3A_2] : memref<16384xi32, #tpu.memory_space<hbm>> -> memref<512xi32, #tpu.memory_space<hbm>>
    %dma_wait3A_12 = tpu.memref_slice %arg3[%mul3A_2] : memref<16384xi32, #tpu.memory_space<hbm>> -> memref<512xi32, #tpu.memory_space<hbm>>
    tpu.wait_dma2 semaphore(%arg20 : memref<!tpu.dma_semaphore, #tpu.memory_space<semaphore_mem>>) src(%dma_wait3A_12 : memref<512xi32, #tpu.memory_space<hbm>>) dst(%arg11 : memref<512xi32, #tpu.memory_space<vmem>>)
    %dma_wait3A_13 = arith.constant 0 : i32
    %dma_wait3A_14 = tpu.memref_slice %arg17[%dma_wait3A_13] : memref<16xf32, #tpu.memory_space<vmem>> -> memref<1xf32, #tpu.memory_space<vmem>>
    %dma_wait3A_15 = arith.constant 0 : i32
    %dma_wait3A_16 = tpu.memref_slice %arg17[%dma_wait3A_15] : memref<16xf32, #tpu.memory_space<vmem>> -> memref<1xf32, #tpu.memory_space<vmem>>
    tpu.wait_dma2 semaphore(%arg21 : memref<!tpu.dma_semaphore, #tpu.memory_space<semaphore_mem>>) src(%arg8 : memref<1xf32, #tpu.memory_space<hbm>>) dst(%dma_wait3A_16 : memref<1xf32, #tpu.memory_space<vmem>>)
    %get3A = arith.constant 0 : index
    %get3A_17 = tpu.vector_load %arg17[%get3A] {strides = array<i32>} : memref<16xf32, #tpu.memory_space<vmem>>, vector<16xf32>,
    %slice3A = vector.extract_strided_slice %get3A_17 {offsets = [0], sizes = [1], strides = [1]} : vector<16xf32> to vector<1xf32>
    %squeeze3A = vector.extract %slice3A[0] : f32 from vector<1xf32>
    %iota3A = tpu.iota {dimensions = array<i32: 0>} : vector<16xi32>
    %dma_start3A_18 = arith.constant 0 : i32
    %dma_start3A_19 = arith.constant 0 : i32
    %dma_start3A_20 = arith.constant 0 : i32
    %dma_start3A_21 = tpu.memref_slice %arg12[%dma_start3A_18, %dma_start3A_19, %dma_start3A_20] : memref<2x128x128xf32, #tpu.memory_space<vmem>> -> memref<1x128x128xf32, #tpu.memory_space<vmem>>
    %dma_start3A_22 = tpu.memref_squeeze %dma_start3A_21 : memref<1x128x128xf32, #tpu.memory_space<vmem>> -> memref<128x128xf32, #tpu.memory_space<vmem>>
    %dma_start3A_23 = arith.constant 0 : i32
    %dma_start3A_24 = arith.constant 0 : i32
    %dma_start3A_25 = tpu.memref_slice %dma_start3A_22[%dma_start3A_23, %dma_start3A_24] : memref<128x128xf32, #tpu.memory_space<vmem>> -> memref<128x128xf32, #tpu.memory_space<vmem>>
    %dma_start3A_26 = arith.constant 0 : i32
    %dma_start3A_27 = tpu.memref_slice %arg10[%dma_start3A_26] : memref<512xi32, #tpu.memory_space<vmem>> -> memref<128xi32, #tpu.memory_space<vmem>>
    %dma_start3A_28 = arith.constant 0 : i32
    %dma_start3A_29 = arith.constant 0 : i32
    %dma_start3A_30 = tpu.memref_slice %arg4[%dma_start3A_28, %dma_start3A_29] : memref<100000x128xf32, #tpu.memory_space<hbm>> -> memref<100000x128xf32, #tpu.memory_space<hbm>>
    tpu.enqueue_indirect_dma source(%dma_start3A_30 : memref<100000x128xf32, #tpu.memory_space<hbm>>) target(%dma_start3A_25 : memref<128x128xf32, #tpu.memory_space<vmem>>) offsets(%dma_start3A_27 : memref<128xi32, #tpu.memory_space<vmem>>) semaphore(%arg19 : memref<!tpu.dma_semaphore, #tpu.memory_space<semaphore_mem>>)
    %dma_start3A_31 = arith.constant 0 : i32
    %dma_start3A_32 = arith.constant 0 : i32
    %dma_start3A_33 = arith.constant 0 : i32
    %dma_start3A_34 = tpu.memref_slice %arg13[%dma_start3A_31, %dma_start3A_32, %dma_start3A_33] : memref<2x128x128xf32, #tpu.memory_space<vmem>> -> memref<1x128x128xf32, #tpu.memory_space<vmem>>
    %dma_start3A_35 = tpu.memref_squeeze %dma_start3A_34 : memref<1x128x128xf32, #tpu.memory_space<vmem>> -> memref<128x128xf32, #tpu.memory_space<vmem>>
    %dma_start3A_36 = arith.constant 0 : i32
    %dma_start3A_37 = arith.constant 0 : i32
    %dma_start3A_38 = tpu.memref_slice %dma_start3A_35[%dma_start3A_36, %dma_start3A_37] : memref<128x128xf32, #tpu.memory_space<vmem>> -> memref<128x128xf32, #tpu.memory_space<vmem>>
    %dma_start3A_39 = arith.constant 0 : i32
    %dma_start3A_40 = tpu.memref_slice %arg11[%dma_start3A_39] : memref<512xi32, #tpu.memory_space<vmem>> -> memref<128xi32, #tpu.memory_space<vmem>>
    %dma_start3A_41 = arith.constant 0 : i32
    %dma_start3A_42 = arith.constant 0 : i32
    %dma_start3A_43 = tpu.memref_slice %arg5[%dma_start3A_41, %dma_start3A_42] : memref<100000x128xf32, #tpu.memory_space<hbm>> -> memref<100000x128xf32, #tpu.memory_space<hbm>>
    tpu.enqueue_indirect_dma source(%dma_start3A_43 : memref<100000x128xf32, #tpu.memory_space<hbm>>) target(%dma_start3A_38 : memref<128x128xf32, #tpu.memory_space<vmem>>) offsets(%dma_start3A_40 : memref<128xi32, #tpu.memory_space<vmem>>) semaphore(%arg19 : memref<!tpu.dma_semaphore, #tpu.memory_space<semaphore_mem>>)
    %dma_start3A_44 = arith.constant 1 : i32
    %dma_start3A_45 = arith.constant 0 : i32
    %dma_start3A_46 = arith.constant 0 : i32
    %dma_start3A_47 = tpu.memref_slice %arg12[%dma_start3A_44, %dma_start3A_45, %dma_start3A_46] : memref<2x128x128xf32, #tpu.memory_space<vmem>> -> memref<1x128x128xf32, #tpu.memory_space<vmem>>
    %dma_start3A_48 = tpu.memref_squeeze %dma_start3A_47 : memref<1x128x128xf32, #tpu.memory_space<vmem>> -> memref<128x128xf32, #tpu.memory_space<vmem>>
    %dma_start3A_49 = arith.constant 0 : i32
    %dma_start3A_50 = arith.constant 0 : i32
    %dma_start3A_51 = tpu.memref_slice %dma_start3A_48[%dma_start3A_49, %dma_start3A_50] : memref<128x128xf32, #tpu.memory_space<vmem>> -> memref<128x128xf32, #tpu.memory_space<vmem>>
    %dma_start3A_52 = arith.constant 128 : i32
    %dma_start3A_53 = tpu.memref_slice %arg10[%dma_start3A_52] : memref<512xi32, #tpu.memory_space<vmem>> -> memref<128xi32, #tpu.memory_space<vmem>>
    %dma_start3A_54 = arith.constant 0 : i32
    %dma_start3A_55 = arith.constant 0 : i32
    %dma_start3A_56 = tpu.memref_slice %arg4[%dma_start3A_54, %dma_start3A_55] : memref<100000x128xf32, #tpu.memory_space<hbm>> -> memref<100000x128xf32, #tpu.memory_space<hbm>>
    tpu.enqueue_indirect_dma source(%dma_start3A_56 : memref<100000x128xf32, #tpu.memory_space<hbm>>) target(%dma_start3A_51 : memref<128x128xf32, #tpu.memory_space<vmem>>) offsets(%dma_start3A_53 : memref<128xi32, #tpu.memory_space<vmem>>) semaphore(%arg20 : memref<!tpu.dma_semaphore, #tpu.memory_space<semaphore_mem>>)
    %dma_start3A_57 = arith.constant 1 : i32
    %dma_start3A_58 = arith.constant 0 : i32
    %dma_start3A_59 = arith.constant 0 : i32
    %dma_start3A_60 = tpu.memref_slice %arg13[%dma_start3A_57, %dma_start3A_58, %dma_start3A_59] : memref<2x128x128xf32, #tpu.memory_space<vmem>> -> memref<1x128x128xf32, #tpu.memory_space<vmem>>
    %dma_start3A_61 = tpu.memref_squeeze %dma_start3A_60 : memref<1x128x128xf32, #tpu.memory_space<vmem>> -> memref<128x128xf32, #tpu.memory_space<vmem>>
    %dma_start3A_62 = arith.constant 0 : i32
    %dma_start3A_63 = arith.constant 0 : i32
    %dma_start3A_64 = tpu.memref_slice %dma_start3A_61[%dma_start3A_62, %dma_start3A_63] : memref<128x128xf32, #tpu.memory_space<vmem>> -> memref<128x128xf32, #tpu.memory_space<vmem>>
    %dma_start3A_65 = arith.constant 128 : i32
    %dma_start3A_66 = tpu.memref_slice %arg11[%dma_start3A_65] : memref<512xi32, #tpu.memory_space<vmem>> -> memref<128xi32, #tpu.memory_space<vmem>>
    %dma_start3A_67 = arith.constant 0 : i32
    %dma_start3A_68 = arith.constant 0 : i32
    %dma_start3A_69 = tpu.memref_slice %arg5[%dma_start3A_67, %dma_start3A_68] : memref<100000x128xf32, #tpu.memory_space<hbm>> -> memref<100000x128xf32, #tpu.memory_space<hbm>>
    tpu.enqueue_indirect_dma source(%dma_start3A_69 : memref<100000x128xf32, #tpu.memory_space<hbm>>) target(%dma_start3A_64 : memref<128x128xf32, #tpu.memory_space<vmem>>) offsets(%dma_start3A_66 : memref<128xi32, #tpu.memory_space<vmem>>) semaphore(%arg20 : memref<!tpu.dma_semaphore, #tpu.memory_space<semaphore_mem>>)
    %dma_start3A_70 = arith.constant 0 : i32
    %dma_start3A_71 = arith.constant 0 : i32
    %dma_start3A_72 = tpu.memref_slice %arg14[%dma_start3A_71] : memref<512xf32, #tpu.memory_space<vmem>> -> memref<128xf32, #tpu.memory_space<vmem>>
    %dma_start3A_73 = arith.constant 0 : i32
    %dma_start3A_74 = tpu.memref_slice %arg10[%dma_start3A_73] : memref<512xi32, #tpu.memory_space<vmem>> -> memref<128xi32, #tpu.memory_space<vmem>>
    %dma_start3A_75 = arith.constant 0 : i32
    %dma_start3A_76 = tpu.memref_slice %arg6[%dma_start3A_70, %dma_start3A_75] : memref<1x100000xf32, #tpu.memory_space<hbm>> -> memref<1x100000xf32, #tpu.memory_space<hbm>>
    %dma_start3A_77 = tpu.memref_squeeze %dma_start3A_76 : memref<1x100000xf32, #tpu.memory_space<hbm>> -> memref<100000xf32, #tpu.memory_space<hbm>>
    %dma_start3A_78 = arith.constant 0 : i32
    %dma_start3A_79 = tpu.memref_slice %dma_start3A_77[%dma_start3A_78] : memref<100000xf32, #tpu.memory_space<hbm>> -> memref<100000xf32, #tpu.memory_space<hbm>>
    tpu.enqueue_indirect_dma source(%dma_start3A_79 : memref<100000xf32, #tpu.memory_space<hbm>>) target(%dma_start3A_72 : memref<128xf32, #tpu.memory_space<vmem>>) offsets(%dma_start3A_74 : memref<128xi32, #tpu.memory_space<vmem>>) semaphore(%arg21 : memref<!tpu.dma_semaphore, #tpu.memory_space<semaphore_mem>>)
    %dma_start3A_80 = arith.constant 0 : i32
    %dma_start3A_81 = arith.constant 0 : i32
    %dma_start3A_82 = tpu.memref_slice %arg15[%dma_start3A_81] : memref<512xf32, #tpu.memory_space<vmem>> -> memref<128xf32, #tpu.memory_space<vmem>>
    %dma_start3A_83 = arith.constant 0 : i32
    %dma_start3A_84 = tpu.memref_slice %arg11[%dma_start3A_83] : memref<512xi32, #tpu.memory_space<vmem>> -> memref<128xi32, #tpu.memory_space<vmem>>
    %dma_start3A_85 = arith.constant 0 : i32
    %dma_start3A_86 = tpu.memref_slice %arg7[%dma_start3A_80, %dma_start3A_85] : memref<1x100000xf32, #tpu.memory_space<hbm>> -> memref<1x100000xf32, #tpu.memory_space<hbm>>
    %dma_start3A_87 = tpu.memref_squeeze %dma_start3A_86 : memref<1x100000xf32, #tpu.memory_space<hbm>> -> memref<100000xf32, #tpu.memory_space<hbm>>
    %dma_start3A_88 = arith.constant 0 : i32
    %dma_start3A_89 = tpu.memref_slice %dma_start3A_87[%dma_start3A_88] : memref<100000xf32, #tpu.memory_space<hbm>> -> memref<100000xf32, #tpu.memory_space<hbm>>
    tpu.enqueue_indirect_dma source(%dma_start3A_89 : memref<100000xf32, #tpu.memory_space<hbm>>) target(%dma_start3A_82 : memref<128xf32, #tpu.memory_space<vmem>>) offsets(%dma_start3A_84 : memref<128xi32, #tpu.memory_space<vmem>>) semaphore(%arg21 : memref<!tpu.dma_semaphore, #tpu.memory_space<semaphore_mem>>)
    %dma_wait3A_90 = arith.constant 0 : i32
    %dma_wait3A_91 = arith.constant 0 : i32
    %dma_wait3A_92 = arith.constant 0 : i32
    %dma_wait3A_93 = tpu.memref_slice %arg12[%dma_wait3A_90, %dma_wait3A_91, %dma_wait3A_92] : memref<2x128x128xf32, #tpu.memory_space<vmem>> -> memref<1x128x128xf32, #tpu.memory_space<vmem>>
    %dma_wait3A_94 = tpu.memref_squeeze %dma_wait3A_93 : memref<1x128x128xf32, #tpu.memory_space<vmem>> -> memref<128x128xf32, #tpu.memory_space<vmem>>
    %dma_wait3A_95 = arith.constant 0 : i32
    %dma_wait3A_96 = arith.constant 0 : i32
    %dma_wait3A_97 = tpu.memref_slice %dma_wait3A_94[%dma_wait3A_95, %dma_wait3A_96] : memref<128x128xf32, #tpu.memory_space<vmem>> -> memref<128x128xf32, #tpu.memory_space<vmem>>
    %dma_wait3A_98 = arith.constant 0 : i32
    %dma_wait3A_99 = tpu.memref_slice %arg10[%dma_wait3A_98] : memref<512xi32, #tpu.memory_space<vmem>> -> memref<128xi32, #tpu.memory_space<vmem>>
    %dma_wait3A_100 = arith.constant 0 : i32
    %dma_wait3A_101 = arith.constant 0 : i32
    %dma_wait3A_102 = tpu.memref_slice %arg4[%dma_wait3A_100, %dma_wait3A_101] : memref<100000x128xf32, #tpu.memory_space<hbm>> -> memref<100000x128xf32, #tpu.memory_space<hbm>>
    tpu.wait_indirect_dma semaphore(%arg19 : memref<!tpu.dma_semaphore, #tpu.memory_space<semaphore_mem>>) src(%dma_wait3A_102 : memref<100000x128xf32, #tpu.memory_space<hbm>>) dst(%dma_wait3A_97 : memref<128x128xf32, #tpu.memory_space<vmem>>)
    %dma_wait3A_103 = arith.constant 0 : i32
    %dma_wait3A_104 = arith.constant 0 : i32
    %dma_wait3A_105 = arith.constant 0 : i32
    %dma_wait3A_106 = tpu.memref_slice %arg13[%dma_wait3A_103, %dma_wait3A_104, %dma_wait3A_105] : memref<2x128x128xf32, #tpu.memory_space<vmem>> -> memref<1x128x128xf32, #tpu.memory_space<vmem>>
    %dma_wait3A_107 = tpu.memref_squeeze %dma_wait3A_106 : memref<1x128x128xf32, #tpu.memory_space<vmem>> -> memref<128x128xf32, #tpu.memory_space<vmem>>
    %dma_wait3A_108 = arith.constant 0 : i32
    %dma_wait3A_109 = arith.constant 0 : i32
    %dma_wait3A_110 = tpu.memref_slice %dma_wait3A_107[%dma_wait3A_108, %dma_wait3A_109] : memref<128x128xf32, #tpu.memory_space<vmem>> -> memref<128x128xf32, #tpu.memory_space<vmem>>
    %dma_wait3A_111 = arith.constant 0 : i32
    %dma_wait3A_112 = tpu.memref_slice %arg11[%dma_wait3A_111] : memref<512xi32, #tpu.memory_space<vmem>> -> memref<128xi32, #tpu.memory_space<vmem>>
    %dma_wait3A_113 = arith.constant 0 : i32
    %dma_wait3A_114 = arith.constant 0 : i32
    %dma_wait3A_115 = tpu.memref_slice %arg5[%dma_wait3A_113, %dma_wait3A_114] : memref<100000x128xf32, #tpu.memory_space<hbm>> -> memref<100000x128xf32, #tpu.memory_space<hbm>>
    tpu.wait_indirect_dma semaphore(%arg19 : memref<!tpu.dma_semaphore, #tpu.memory_space<semaphore_mem>>) src(%dma_wait3A_115 : memref<100000x128xf32, #tpu.memory_space<hbm>>) dst(%dma_wait3A_110 : memref<128x128xf32, #tpu.memory_space<vmem>>)
    %scan3A = arith.constant 0 : i32
    %scan3A_116 = arith.constant 0 : i32
    %scan3A_117 = arith.constant 0 : i32
    %scan3A_118 = arith.constant 0 : i32
    %scan3A_119 = arith.constant 8 : i32
    %scan3A_120 = arith.addi %scan3A_118, %scan3A_119 : i32
    %scan3A_121 = arith.constant 1 : i32
    scf.for %scan3A_423 = %scan3A_118 to %scan3A_120 step %scan3A_121  : i32 {
      %mul3A_424 = arith.constant 16 : i32
      %mul3A_425 = arith.muli %scan3A_423, %mul3A_424 : i32
      %scan3A_426 = arith.constant 0 : i32
      %scan3A_427 = arith.constant 0 : i32
      %scan3A_428 = arith.constant 16 : i32
      %scan3A_429 = arith.addi %scan3A_427, %scan3A_428 : i32
      %scan3A_430 = arith.constant 1 : i32
      scf.for %scan3A_513 = %scan3A_427 to %scan3A_429 step %scan3A_430  : i32 {
        %add3A_514 = arith.addi %mul3A_425, %scan3A_513 : i32
        %get3A_515 = arith.constant 0 : i32
        %get3A_516 = arith.constant 0 : i32
        %get3A_517 = tpu.memref_slice %arg12[%scan3A_116, %get3A_515, %get3A_516] : memref<2x128x128xf32, #tpu.memory_space<vmem>> -> memref<1x128x128xf32, #tpu.memory_space<vmem>>
        %get3A_518 = tpu.memref_squeeze %get3A_517 : memref<1x128x128xf32, #tpu.memory_space<vmem>> -> memref<128x128xf32, #tpu.memory_space<vmem>>
        %get3A_519 = arith.index_cast %add3A_514 : i32 to index
        %get3A_520 = arith.constant 0 : index
        %get3A_521 = tpu.vector_load %get3A_518[%get3A_519, %get3A_520] {strides = array<i32>} : memref<128x128xf32, #tpu.memory_space<vmem>>, vector<16xf32>,
        %get3A_522 = arith.constant 0 : i32
        %get3A_523 = arith.constant 0 : i32
        %get3A_524 = tpu.memref_slice %arg13[%scan3A_117, %get3A_522, %get3A_523] : memref<2x128x128xf32, #tpu.memory_space<vmem>> -> memref<1x128x128xf32, #tpu.memory_space<vmem>>
        %get3A_525 = tpu.memref_squeeze %get3A_524 : memref<1x128x128xf32, #tpu.memory_space<vmem>> -> memref<128x128xf32, #tpu.memory_space<vmem>>
        %get3A_526 = arith.index_cast %add3A_514 : i32 to index
        %get3A_527 = arith.constant 0 : index
        %get3A_528 = tpu.vector_load %get3A_525[%get3A_526, %get3A_527] {strides = array<i32>} : memref<128x128xf32, #tpu.memory_space<vmem>>, vector<16xf32>,
        %mul3A_529 = arith.mulf %get3A_521, %get3A_528 : vector<16xf32>
        %scan3A_530 = arith.constant 1 : i32
        %scan3A_531 = arith.constant 7 : i32
        %scan3A_532 = arith.addi %scan3A_530, %scan3A_531 : i32
        %scan3A_533 = arith.constant 1 : i32
        %scan3A_534 = scf.for %scan3A_540 = %scan3A_530 to %scan3A_532 step %scan3A_533 iter_args(%scan3A_541 = %mul3A_529) -> (vector<16xf32>)  : i32 {
          %mul3A_542 = arith.constant 16 : i32
          %mul3A_543 = arith.muli %scan3A_540, %mul3A_542 : i32
          %get3A_544 = arith.constant 0 : i32
          %get3A_545 = arith.constant 0 : i32
          %get3A_546 = tpu.memref_slice %arg12[%scan3A_116, %get3A_544, %get3A_545] : memref<2x128x128xf32, #tpu.memory_space<vmem>> -> memref<1x128x128xf32, #tpu.memory_space<vmem>>
          %get3A_547 = tpu.memref_squeeze %get3A_546 : memref<1x128x128xf32, #tpu.memory_space<vmem>> -> memref<128x128xf32, #tpu.memory_space<vmem>>
          %get3A_548 = arith.index_cast %add3A_514 : i32 to index
          %get3A_549 = arith.index_cast %mul3A_543 : i32 to index
          %get3A_550 = tpu.vector_load %get3A_547[%get3A_548, %get3A_549] {strides = array<i32>} : memref<128x128xf32, #tpu.memory_space<vmem>>, vector<16xf32>,
          %mul3A_551 = arith.constant 16 : i32
          %mul3A_552 = arith.muli %scan3A_540, %mul3A_551 : i32
          %get3A_553 = arith.constant 0 : i32
          %get3A_554 = arith.constant 0 : i32
          %get3A_555 = tpu.memref_slice %arg13[%scan3A_117, %get3A_553, %get3A_554] : memref<2x128x128xf32, #tpu.memory_space<vmem>> -> memref<1x128x128xf32, #tpu.memory_space<vmem>>
          %get3A_556 = tpu.memref_squeeze %get3A_555 : memref<1x128x128xf32, #tpu.memory_space<vmem>> -> memref<128x128xf32, #tpu.memory_space<vmem>>
          %get3A_557 = arith.index_cast %add3A_514 : i32 to index
          %get3A_558 = arith.index_cast %mul3A_552 : i32 to index
          %get3A_559 = tpu.vector_load %get3A_556[%get3A_557, %get3A_558] {strides = array<i32>} : memref<128x128xf32, #tpu.memory_space<vmem>>, vector<16xf32>,
          %mul3A_560 = arith.mulf %get3A_550, %get3A_559 : vector<16xf32>
          %add3A_561 = arith.addf %scan3A_541, %mul3A_560 : vector<16xf32>
          scf.yield %add3A_561 : vector<16xf32>
        }
        %scan3A_535 = arith.constant 7 : i32
        %mul3A_536 = arith.constant 16 : i32
        %mul3A_537 = arith.muli %scan3A_513, %mul3A_536 : i32
        %swap3A_538 = arith.index_cast %mul3A_537 : i32 to index
        %swap3A_539 = tpu.vector_load %arg18[%swap3A_538] {strides = array<i32>} : memref<256xf32, #tpu.memory_space<vmem>>, vector<16xf32>,
        tpu.vector_store %arg18[%swap3A_538], %scan3A_534 {strides = array<i32>} : memref<256xf32, #tpu.memory_space<vmem>>, vector<16xf32>,
      }
      %scan3A_431 = arith.constant 16 : i32
      %mul3A_432 = arith.constant 16 : i32
      %mul3A_433 = vector.broadcast %mul3A_432 : i32 to vector<16xi32>
      %mul3A_434 = arith.muli %iota3A, %mul3A_433 : vector<16xi32>
      %gather3A = tpu.vector_load_idx %arg18[%mul3A_434] : memref<256xf32, #tpu.memory_space<vmem>>[vector<16xi32>], vector<16xf32>,
      %add3A_435 = arith.constant 1 : i32
      %add3A_436 = vector.broadcast %add3A_435 : i32 to vector<16xi32>
      %add3A_437 = arith.addi %mul3A_434, %add3A_436 : vector<16xi32>
      %gather3A_438 = tpu.vector_load_idx %arg18[%add3A_437] : memref<256xf32, #tpu.memory_space<vmem>>[vector<16xi32>], vector<16xf32>,
      %add3A_439 = arith.addf %gather3A, %gather3A_438 : vector<16xf32>
      %add3A_440 = arith.constant 2 : i32
      %add3A_441 = vector.broadcast %add3A_440 : i32 to vector<16xi32>
      %add3A_442 = arith.addi %mul3A_434, %add3A_441 : vector<16xi32>
      %gather3A_443 = tpu.vector_load_idx %arg18[%add3A_442] : memref<256xf32, #tpu.memory_space<vmem>>[vector<16xi32>], vector<16xf32>,
      %add3A_444 = arith.addf %add3A_439, %gather3A_443 : vector<16xf32>
      %add3A_445 = arith.constant 3 : i32
      %add3A_446 = vector.broadcast %add3A_445 : i32 to vector<16xi32>
      %add3A_447 = arith.addi %mul3A_434, %add3A_446 : vector<16xi32>
      %gather3A_448 = tpu.vector_load_idx %arg18[%add3A_447] : memref<256xf32, #tpu.memory_space<vmem>>[vector<16xi32>], vector<16xf32>,
      %add3A_449 = arith.addf %add3A_444, %gather3A_448 : vector<16xf32>
      %add3A_450 = arith.constant 4 : i32
      %add3A_451 = vector.broadcast %add3A_450 : i32 to vector<16xi32>
      %add3A_452 = arith.addi %mul3A_434, %add3A_451 : vector<16xi32>
      %gather3A_453 = tpu.vector_load_idx %arg18[%add3A_452] : memref<256xf32, #tpu.memory_space<vmem>>[vector<16xi32>], vector<16xf32>,
      %add3A_454 = arith.addf %add3A_449, %gather3A_453 : vector<16xf32>
      %add3A_455 = arith.constant 5 : i32
      %add3A_456 = vector.broadcast %add3A_455 : i32 to vector<16xi32>
      %add3A_457 = arith.addi %mul3A_434, %add3A_456 : vector<16xi32>
      %gather3A_458 = tpu.vector_load_idx %arg18[%add3A_457] : memref<256xf32, #tpu.memory_space<vmem>>[vector<16xi32>], vector<16xf32>,
      %add3A_459 = arith.addf %add3A_454, %gather3A_458 : vector<16xf32>
      %add3A_460 = arith.constant 6 : i32
      %add3A_461 = vector.broadcast %add3A_460 : i32 to vector<16xi32>
      %add3A_462 = arith.addi %mul3A_434, %add3A_461 : vector<16xi32>
      %gather3A_463 = tpu.vector_load_idx %arg18[%add3A_462] : memref<256xf32, #tpu.memory_space<vmem>>[vector<16xi32>], vector<16xf32>,
      %add3A_464 = arith.addf %add3A_459, %gather3A_463 : vector<16xf32>
      %add3A_465 = arith.constant 7 : i32
      %add3A_466 = vector.broadcast %add3A_465 : i32 to vector<16xi32>
      %add3A_467 = arith.addi %mul3A_434, %add3A_466 : vector<16xi32>
      %gather3A_468 = tpu.vector_load_idx %arg18[%add3A_467] : memref<256xf32, #tpu.memory_space<vmem>>[vector<16xi32>], vector<16xf32>,
      %add3A_469 = arith.addf %add3A_464, %gather3A_468 : vector<16xf32>
      %add3A_470 = arith.constant 8 : i32
      %add3A_471 = vector.broadcast %add3A_470 : i32 to vector<16xi32>
      %add3A_472 = arith.addi %mul3A_434, %add3A_471 : vector<16xi32>
      %gather3A_473 = tpu.vector_load_idx %arg18[%add3A_472] : memref<256xf32, #tpu.memory_space<vmem>>[vector<16xi32>], vector<16xf32>,
      %add3A_474 = arith.addf %add3A_469, %gather3A_473 : vector<16xf32>
      %add3A_475 = arith.constant 9 : i32
      %add3A_476 = vector.broadcast %add3A_475 : i32 to vector<16xi32>
      %add3A_477 = arith.addi %mul3A_434, %add3A_476 : vector<16xi32>
      %gather3A_478 = tpu.vector_load_idx %arg18[%add3A_477] : memref<256xf32, #tpu.memory_space<vmem>>[vector<16xi32>], vector<16xf32>,
      %add3A_479 = arith.addf %add3A_474, %gather3A_478 : vector<16xf32>
      %add3A_480 = arith.constant 10 : i32
      %add3A_481 = vector.broadcast %add3A_480 : i32 to vector<16xi32>
      %add3A_482 = arith.addi %mul3A_434, %add3A_481 : vector<16xi32>
      %gather3A_483 = tpu.vector_load_idx %arg18[%add3A_482] : memref<256xf32, #tpu.memory_space<vmem>>[vector<16xi32>], vector<16xf32>,
      %add3A_484 = arith.addf %add3A_479, %gather3A_483 : vector<16xf32>
      %add3A_485 = arith.constant 11 : i32
      %add3A_486 = vector.broadcast %add3A_485 : i32 to vector<16xi32>
      %add3A_487 = arith.addi %mul3A_434, %add3A_486 : vector<16xi32>
      %gather3A_488 = tpu.vector_load_idx %arg18[%add3A_487] : memref<256xf32, #tpu.memory_space<vmem>>[vector<16xi32>], vector<16xf32>,
      %add3A_489 = arith.addf %add3A_484, %gather3A_488 : vector<16xf32>
      %add3A_490 = arith.constant 12 : i32
      %add3A_491 = vector.broadcast %add3A_490 : i32 to vector<16xi32>
      %add3A_492 = arith.addi %mul3A_434, %add3A_491 : vector<16xi32>
      %gather3A_493 = tpu.vector_load_idx %arg18[%add3A_492] : memref<256xf32, #tpu.memory_space<vmem>>[vector<16xi32>], vector<16xf32>,
      %add3A_494 = arith.addf %add3A_489, %gather3A_493 : vector<16xf32>
      %add3A_495 = arith.constant 13 : i32
      %add3A_496 = vector.broadcast %add3A_495 : i32 to vector<16xi32>
      %add3A_497 = arith.addi %mul3A_434, %add3A_496 : vector<16xi32>
      %gather3A_498 = tpu.vector_load_idx %arg18[%add3A_497] : memref<256xf32, #tpu.memory_space<vmem>>[vector<16xi32>], vector<16xf32>,
      %add3A_499 = arith.addf %add3A_494, %gather3A_498 : vector<16xf32>
      %add3A_500 = arith.constant 14 : i32
      %add3A_501 = vector.broadcast %add3A_500 : i32 to vector<16xi32>
      %add3A_502 = arith.addi %mul3A_434, %add3A_501 : vector<16xi32>
      %gather3A_503 = tpu.vector_load_idx %arg18[%add3A_502] : memref<256xf32, #tpu.memory_space<vmem>>[vector<16xi32>], vector<16xf32>,
      %add3A_504 = arith.addf %add3A_499, %gather3A_503 : vector<16xf32>
      %add3A_505 = arith.constant 15 : i32
      %add3A_506 = vector.broadcast %add3A_505 : i32 to vector<16xi32>
      %add3A_507 = arith.addi %mul3A_434, %add3A_506 : vector<16xi32>
      %gather3A_508 = tpu.vector_load_idx %arg18[%add3A_507] : memref<256xf32, #tpu.memory_space<vmem>>[vector<16xi32>], vector<16xf32>,
      %add3A_509 = arith.addf %add3A_504, %gather3A_508 : vector<16xf32>
      %add3A_510 = arith.constant 0 : i32
      %add3A_511 = arith.addi %add3A_510, %mul3A_425 : i32
      %swap3A = arith.index_cast %add3A_511 : i32 to index
      %swap3A_512 = tpu.vector_load %arg16[%swap3A] {strides = array<i32>} : memref<512xf32, #tpu.memory_space<vmem>>, vector<16xf32>,
      tpu.vector_store %arg16[%swap3A], %add3A_509 {strides = array<i32>} : memref<512xf32, #tpu.memory_space<vmem>>, vector<16xf32>,
    }
    %scan3A_122 = arith.constant 8 : i32
    %dma_start3A_123 = arith.constant 0 : i32
    %dma_start3A_124 = arith.constant 128 : i32
    %dma_start3A_125 = tpu.memref_slice %arg14[%dma_start3A_124] : memref<512xf32, #tpu.memory_space<vmem>> -> memref<128xf32, #tpu.memory_space<vmem>>
    %dma_start3A_126 = arith.constant 128 : i32
    %dma_start3A_127 = tpu.memref_slice %arg10[%dma_start3A_126] : memref<512xi32, #tpu.memory_space<vmem>> -> memref<128xi32, #tpu.memory_space<vmem>>
    %dma_start3A_128 = arith.constant 0 : i32
    %dma_start3A_129 = tpu.memref_slice %arg6[%dma_start3A_123, %dma_start3A_128] : memref<1x100000xf32, #tpu.memory_space<hbm>> -> memref<1x100000xf32, #tpu.memory_space<hbm>>
    %dma_start3A_130 = tpu.memref_squeeze %dma_start3A_129 : memref<1x100000xf32, #tpu.memory_space<hbm>> -> memref<100000xf32, #tpu.memory_space<hbm>>
    %dma_start3A_131 = arith.constant 0 : i32
    %dma_start3A_132 = tpu.memref_slice %dma_start3A_130[%dma_start3A_131] : memref<100000xf32, #tpu.memory_space<hbm>> -> memref<100000xf32, #tpu.memory_space<hbm>>
    tpu.enqueue_indirect_dma source(%dma_start3A_132 : memref<100000xf32, #tpu.memory_space<hbm>>) target(%dma_start3A_125 : memref<128xf32, #tpu.memory_space<vmem>>) offsets(%dma_start3A_127 : memref<128xi32, #tpu.memory_space<vmem>>) semaphore(%arg21 : memref<!tpu.dma_semaphore, #tpu.memory_space<semaphore_mem>>)
    %dma_start3A_133 = arith.constant 0 : i32
    %dma_start3A_134 = arith.constant 128 : i32
    %dma_start3A_135 = tpu.memref_slice %arg15[%dma_start3A_134] : memref<512xf32, #tpu.memory_space<vmem>> -> memref<128xf32, #tpu.memory_space<vmem>>
    %dma_start3A_136 = arith.constant 128 : i32
    %dma_start3A_137 = tpu.memref_slice %arg11[%dma_start3A_136] : memref<512xi32, #tpu.memory_space<vmem>> -> memref<128xi32, #tpu.memory_space<vmem>>
    %dma_start3A_138 = arith.constant 0 : i32
    %dma_start3A_139 = tpu.memref_slice %arg7[%dma_start3A_133, %dma_start3A_138] : memref<1x100000xf32, #tpu.memory_space<hbm>> -> memref<1x100000xf32, #tpu.memory_space<hbm>>
    %dma_start3A_140 = tpu.memref_squeeze %dma_start3A_139 : memref<1x100000xf32, #tpu.memory_space<hbm>> -> memref<100000xf32, #tpu.memory_space<hbm>>
    %dma_start3A_141 = arith.constant 0 : i32
    %dma_start3A_142 = tpu.memref_slice %dma_start3A_140[%dma_start3A_141] : memref<100000xf32, #tpu.memory_space<hbm>> -> memref<100000xf32, #tpu.memory_space<hbm>>
    tpu.enqueue_indirect_dma source(%dma_start3A_142 : memref<100000xf32, #tpu.memory_space<hbm>>) target(%dma_start3A_135 : memref<128xf32, #tpu.memory_space<vmem>>) offsets(%dma_start3A_137 : memref<128xi32, #tpu.memory_space<vmem>>) semaphore(%arg21 : memref<!tpu.dma_semaphore, #tpu.memory_space<semaphore_mem>>)
    %dma_start3A_143 = arith.constant 0 : i32
    %dma_start3A_144 = arith.constant 0 : i32
    %dma_start3A_145 = arith.constant 0 : i32
    %dma_start3A_146 = tpu.memref_slice %arg12[%dma_start3A_143, %dma_start3A_144, %dma_start3A_145] : memref<2x128x128xf32, #tpu.memory_space<vmem>> -> memref<1x128x128xf32, #tpu.memory_space<vmem>>
    %dma_start3A_147 = tpu.memref_squeeze %dma_start3A_146 : memref<1x128x128xf32, #tpu.memory_space<vmem>> -> memref<128x128xf32, #tpu.memory_space<vmem>>
    %dma_start3A_148 = arith.constant 0 : i32
    %dma_start3A_149 = arith.constant 0 : i32
    %dma_start3A_150 = tpu.memref_slice %dma_start3A_147[%dma_start3A_148, %dma_start3A_149] : memref<128x128xf32, #tpu.memory_space<vmem>> -> memref<128x128xf32, #tpu.memory_space<vmem>>
    %dma_start3A_151 = arith.constant 256 : i32
    %dma_start3A_152 = tpu.memref_slice %arg10[%dma_start3A_151] : memref<512xi32, #tpu.memory_space<vmem>> -> memref<128xi32, #tpu.memory_space<vmem>>
    %dma_start3A_153 = arith.constant 0 : i32
    %dma_start3A_154 = arith.constant 0 : i32
    %dma_start3A_155 = tpu.memref_slice %arg4[%dma_start3A_153, %dma_start3A_154] : memref<100000x128xf32, #tpu.memory_space<hbm>> -> memref<100000x128xf32, #tpu.memory_space<hbm>>
    tpu.enqueue_indirect_dma source(%dma_start3A_155 : memref<100000x128xf32, #tpu.memory_space<hbm>>) target(%dma_start3A_150 : memref<128x128xf32, #tpu.memory_space<vmem>>) offsets(%dma_start3A_152 : memref<128xi32, #tpu.memory_space<vmem>>) semaphore(%arg19 : memref<!tpu.dma_semaphore, #tpu.memory_space<semaphore_mem>>)
    %dma_start3A_156 = arith.constant 0 : i32
    %dma_start3A_157 = arith.constant 0 : i32
    %dma_start3A_158 = arith.constant 0 : i32
    %dma_start3A_159 = tpu.memref_slice %arg13[%dma_start3A_156, %dma_start3A_157, %dma_start3A_158] : memref<2x128x128xf32, #tpu.memory_space<vmem>> -> memref<1x128x128xf32, #tpu.memory_space<vmem>>
    %dma_start3A_160 = tpu.memref_squeeze %dma_start3A_159 : memref<1x128x128xf32, #tpu.memory_space<vmem>> -> memref<128x128xf32, #tpu.memory_space<vmem>>
    %dma_start3A_161 = arith.constant 0 : i32
    %dma_start3A_162 = arith.constant 0 : i32
    %dma_start3A_163 = tpu.memref_slice %dma_start3A_160[%dma_start3A_161, %dma_start3A_162] : memref<128x128xf32, #tpu.memory_space<vmem>> -> memref<128x128xf32, #tpu.memory_space<vmem>>
    %dma_start3A_164 = arith.constant 256 : i32
    %dma_start3A_165 = tpu.memref_slice %arg11[%dma_start3A_164] : memref<512xi32, #tpu.memory_space<vmem>> -> memref<128xi32, #tpu.memory_space<vmem>>
    %dma_start3A_166 = arith.constant 0 : i32
    %dma_start3A_167 = arith.constant 0 : i32
    %dma_start3A_168 = tpu.memref_slice %arg5[%dma_start3A_166, %dma_start3A_167] : memref<100000x128xf32, #tpu.memory_space<hbm>> -> memref<100000x128xf32, #tpu.memory_space<hbm>>
    tpu.enqueue_indirect_dma source(%dma_start3A_168 : memref<100000x128xf32, #tpu.memory_space<hbm>>) target(%dma_start3A_163 : memref<128x128xf32, #tpu.memory_space<vmem>>) offsets(%dma_start3A_165 : memref<128xi32, #tpu.memory_space<vmem>>) semaphore(%arg19 : memref<!tpu.dma_semaphore, #tpu.memory_space<semaphore_mem>>)
    %dma_wait3A_169 = arith.constant 1 : i32
    %dma_wait3A_170 = arith.constant 0 : i32
    %dma_wait3A_171 = arith.constant 0 : i32
    %dma_wait3A_172 = tpu.memref_slice %arg12[%dma_wait3A_169, %dma_wait3A_170, %dma_wait3A_171] : memref<2x128x128xf32, #tpu.memory_space<vmem>> -> memref<1x128x128xf32, #tpu.memory_space<vmem>>
    %dma_wait3A_173 = tpu.memref_squeeze %dma_wait3A_172 : memref<1x128x128xf32, #tpu.memory_space<vmem>> -> memref<128x128xf32, #tpu.memory_space<vmem>>
    %dma_wait3A_174 = arith.constant 0 : i32
    %dma_wait3A_175 = arith.constant 0 : i32
    %dma_wait3A_176 = tpu.memref_slice %dma_wait3A_173[%dma_wait3A_174, %dma_wait3A_175] : memref<128x128xf32, #tpu.memory_space<vmem>> -> memref<128x128xf32, #tpu.memory_space<vmem>>
    %dma_wait3A_177 = arith.constant 128 : i32
    %dma_wait3A_178 = tpu.memref_slice %arg10[%dma_wait3A_177] : memref<512xi32, #tpu.memory_space<vmem>> -> memref<128xi32, #tpu.memory_space<vmem>>
    %dma_wait3A_179 = arith.constant 0 : i32
    %dma_wait3A_180 = arith.constant 0 : i32
    %dma_wait3A_181 = tpu.memref_slice %arg4[%dma_wait3A_179, %dma_wait3A_180] : memref<100000x128xf32, #tpu.memory_space<hbm>> -> memref<100000x128xf32, #tpu.memory_space<hbm>>
    tpu.wait_indirect_dma semaphore(%arg20 : memref<!tpu.dma_semaphore, #tpu.memory_space<semaphore_mem>>) src(%dma_wait3A_181 : memref<100000x128xf32, #tpu.memory_space<hbm>>) dst(%dma_wait3A_176 : memref<128x128xf32, #tpu.memory_space<vmem>>)
    %dma_wait3A_182 = arith.constant 1 : i32
    %dma_wait3A_183 = arith.constant 0 : i32
    %dma_wait3A_184 = arith.constant 0 : i32
    %dma_wait3A_185 = tpu.memref_slice %arg13[%dma_wait3A_182, %dma_wait3A_183, %dma_wait3A_184] : memref<2x128x128xf32, #tpu.memory_space<vmem>> -> memref<1x128x128xf32, #tpu.memory_space<vmem>>
    %dma_wait3A_186 = tpu.memref_squeeze %dma_wait3A_185 : memref<1x128x128xf32, #tpu.memory_space<vmem>> -> memref<128x128xf32, #tpu.memory_space<vmem>>
    %dma_wait3A_187 = arith.constant 0 : i32
    %dma_wait3A_188 = arith.constant 0 : i32
    %dma_wait3A_189 = tpu.memref_slice %dma_wait3A_186[%dma_wait3A_187, %dma_wait3A_188] : memref<128x128xf32, #tpu.memory_space<vmem>> -> memref<128x128xf32, #tpu.memory_space<vmem>>
    %dma_wait3A_190 = arith.constant 128 : i32
    %dma_wait3A_191 = tpu.memref_slice %arg11[%dma_wait3A_190] : memref<512xi32, #tpu.memory_space<vmem>> -> memref<128xi32, #tpu.memory_space<vmem>>
    %dma_wait3A_192 = arith.constant 0 : i32
    %dma_wait3A_193 = arith.constant 0 : i32
    %dma_wait3A_194 = tpu.memref_slice %arg5[%dma_wait3A_192, %dma_wait3A_193] : memref<100000x128xf32, #tpu.memory_space<hbm>> -> memref<100000x128xf32, #tpu.memory_space<hbm>>
    tpu.wait_indirect_dma semaphore(%arg20 : memref<!tpu.dma_semaphore, #tpu.memory_space<semaphore_mem>>) src(%dma_wait3A_194 : memref<100000x128xf32, #tpu.memory_space<hbm>>) dst(%dma_wait3A_189 : memref<128x128xf32, #tpu.memory_space<vmem>>)
    %scan3A_195 = arith.constant 0 : i32
    %scan3A_196 = arith.constant 1 : i32
    %scan3A_197 = arith.constant 1 : i32
    %scan3A_198 = arith.constant 0 : i32
    %scan3A_199 = arith.constant 8 : i32
    %scan3A_200 = arith.addi %scan3A_198, %scan3A_199 : i32
    %scan3A_201 = arith.constant 1 : i32
    scf.for %scan3A_423 = %scan3A_198 to %scan3A_200 step %scan3A_201  : i32 {
      %mul3A_424 = arith.constant 16 : i32
      %mul3A_425 = arith.muli %scan3A_423, %mul3A_424 : i32
      %scan3A_426 = arith.constant 0 : i32
      %scan3A_427 = arith.constant 0 : i32
      %scan3A_428 = arith.constant 16 : i32
      %scan3A_429 = arith.addi %scan3A_427, %scan3A_428 : i32
      %scan3A_430 = arith.constant 1 : i32
      scf.for %scan3A_513 = %scan3A_427 to %scan3A_429 step %scan3A_430  : i32 {
        %add3A_514 = arith.addi %mul3A_425, %scan3A_513 : i32
        %get3A_515 = arith.constant 0 : i32
        %get3A_516 = arith.constant 0 : i32
        %get3A_517 = tpu.memref_slice %arg12[%scan3A_196, %get3A_515, %get3A_516] : memref<2x128x128xf32, #tpu.memory_space<vmem>> -> memref<1x128x128xf32, #tpu.memory_space<vmem>>
        %get3A_518 = tpu.memref_squeeze %get3A_517 : memref<1x128x128xf32, #tpu.memory_space<vmem>> -> memref<128x128xf32, #tpu.memory_space<vmem>>
        %get3A_519 = arith.index_cast %add3A_514 : i32 to index
        %get3A_520 = arith.constant 0 : index
        %get3A_521 = tpu.vector_load %get3A_518[%get3A_519, %get3A_520] {strides = array<i32>} : memref<128x128xf32, #tpu.memory_space<vmem>>, vector<16xf32>,
        %get3A_522 = arith.constant 0 : i32
        %get3A_523 = arith.constant 0 : i32
        %get3A_524 = tpu.memref_slice %arg13[%scan3A_197, %get3A_522, %get3A_523] : memref<2x128x128xf32, #tpu.memory_space<vmem>> -> memref<1x128x128xf32, #tpu.memory_space<vmem>>
        %get3A_525 = tpu.memref_squeeze %get3A_524 : memref<1x128x128xf32, #tpu.memory_space<vmem>> -> memref<128x128xf32, #tpu.memory_space<vmem>>
        %get3A_526 = arith.index_cast %add3A_514 : i32 to index
        %get3A_527 = arith.constant 0 : index
        %get3A_528 = tpu.vector_load %get3A_525[%get3A_526, %get3A_527] {strides = array<i32>} : memref<128x128xf32, #tpu.memory_space<vmem>>, vector<16xf32>,
        %mul3A_529 = arith.mulf %get3A_521, %get3A_528 : vector<16xf32>
        %scan3A_530 = arith.constant 1 : i32
        %scan3A_531 = arith.constant 7 : i32
        %scan3A_532 = arith.addi %scan3A_530, %scan3A_531 : i32
        %scan3A_533 = arith.constant 1 : i32
        %scan3A_534 = scf.for %scan3A_540 = %scan3A_530 to %scan3A_532 step %scan3A_533 iter_args(%scan3A_541 = %mul3A_529) -> (vector<16xf32>)  : i32 {
          %mul3A_542 = arith.constant 16 : i32
          %mul3A_543 = arith.muli %scan3A_540, %mul3A_542 : i32
          %get3A_544 = arith.constant 0 : i32
          %get3A_545 = arith.constant 0 : i32
          %get3A_546 = tpu.memref_slice %arg12[%scan3A_196, %get3A_544, %get3A_545] : memref<2x128x128xf32, #tpu.memory_space<vmem>> -> memref<1x128x128xf32, #tpu.memory_space<vmem>>
          %get3A_547 = tpu.memref_squeeze %get3A_546 : memref<1x128x128xf32, #tpu.memory_space<vmem>> -> memref<128x128xf32, #tpu.memory_space<vmem>>
          %get3A_548 = arith.index_cast %add3A_514 : i32 to index
          %get3A_549 = arith.index_cast %mul3A_543 : i32 to index
          %get3A_550 = tpu.vector_load %get3A_547[%get3A_548, %get3A_549] {strides = array<i32>} : memref<128x128xf32, #tpu.memory_space<vmem>>, vector<16xf32>,
          %mul3A_551 = arith.constant 16 : i32
          %mul3A_552 = arith.muli %scan3A_540, %mul3A_551 : i32
          %get3A_553 = arith.constant 0 : i32
          %get3A_554 = arith.constant 0 : i32
          %get3A_555 = tpu.memref_slice %arg13[%scan3A_197, %get3A_553, %get3A_554] : memref<2x128x128xf32, #tpu.memory_space<vmem>> -> memref<1x128x128xf32, #tpu.memory_space<vmem>>
          %get3A_556 = tpu.memref_squeeze %get3A_555 : memref<1x128x128xf32, #tpu.memory_space<vmem>> -> memref<128x128xf32, #tpu.memory_space<vmem>>
          %get3A_557 = arith.index_cast %add3A_514 : i32 to index
          %get3A_558 = arith.index_cast %mul3A_552 : i32 to index
          %get3A_559 = tpu.vector_load %get3A_556[%get3A_557, %get3A_558] {strides = array<i32>} : memref<128x128xf32, #tpu.memory_space<vmem>>, vector<16xf32>,
          %mul3A_560 = arith.mulf %get3A_550, %get3A_559 : vector<16xf32>
          %add3A_561 = arith.addf %scan3A_541, %mul3A_560 : vector<16xf32>
          scf.yield %add3A_561 : vector<16xf32>
        }
        %scan3A_535 = arith.constant 7 : i32
        %mul3A_536 = arith.constant 16 : i32
        %mul3A_537 = arith.muli %scan3A_513, %mul3A_536 : i32
        %swap3A_538 = arith.index_cast %mul3A_537 : i32 to index
        %swap3A_539 = tpu.vector_load %arg18[%swap3A_538] {strides = array<i32>} : memref<256xf32, #tpu.memory_space<vmem>>, vector<16xf32>,
        tpu.vector_store %arg18[%swap3A_538], %scan3A_534 {strides = array<i32>} : memref<256xf32, #tpu.memory_space<vmem>>, vector<16xf32>,
      }
      %scan3A_431 = arith.constant 16 : i32
      %mul3A_432 = arith.constant 16 : i32
      %mul3A_433 = vector.broadcast %mul3A_432 : i32 to vector<16xi32>
      %mul3A_434 = arith.muli %iota3A, %mul3A_433 : vector<16xi32>
      %gather3A = tpu.vector_load_idx %arg18[%mul3A_434] : memref<256xf32, #tpu.memory_space<vmem>>[vector<16xi32>], vector<16xf32>,
      %add3A_435 = arith.constant 1 : i32
      %add3A_436 = vector.broadcast %add3A_435 : i32 to vector<16xi32>
      %add3A_437 = arith.addi %mul3A_434, %add3A_436 : vector<16xi32>
      %gather3A_438 = tpu.vector_load_idx %arg18[%add3A_437] : memref<256xf32, #tpu.memory_space<vmem>>[vector<16xi32>], vector<16xf32>,
      %add3A_439 = arith.addf %gather3A, %gather3A_438 : vector<16xf32>
      %add3A_440 = arith.constant 2 : i32
      %add3A_441 = vector.broadcast %add3A_440 : i32 to vector<16xi32>
      %add3A_442 = arith.addi %mul3A_434, %add3A_441 : vector<16xi32>
      %gather3A_443 = tpu.vector_load_idx %arg18[%add3A_442] : memref<256xf32, #tpu.memory_space<vmem>>[vector<16xi32>], vector<16xf32>,
      %add3A_444 = arith.addf %add3A_439, %gather3A_443 : vector<16xf32>
      %add3A_445 = arith.constant 3 : i32
      %add3A_446 = vector.broadcast %add3A_445 : i32 to vector<16xi32>
      %add3A_447 = arith.addi %mul3A_434, %add3A_446 : vector<16xi32>
      %gather3A_448 = tpu.vector_load_idx %arg18[%add3A_447] : memref<256xf32, #tpu.memory_space<vmem>>[vector<16xi32>], vector<16xf32>,
      %add3A_449 = arith.addf %add3A_444, %gather3A_448 : vector<16xf32>
      %add3A_450 = arith.constant 4 : i32
      %add3A_451 = vector.broadcast %add3A_450 : i32 to vector<16xi32>
      %add3A_452 = arith.addi %mul3A_434, %add3A_451 : vector<16xi32>
      %gather3A_453 = tpu.vector_load_idx %arg18[%add3A_452] : memref<256xf32, #tpu.memory_space<vmem>>[vector<16xi32>], vector<16xf32>,
      %add3A_454 = arith.addf %add3A_449, %gather3A_453 : vector<16xf32>
      %add3A_455 = arith.constant 5 : i32
      %add3A_456 = vector.broadcast %add3A_455 : i32 to vector<16xi32>
      %add3A_457 = arith.addi %mul3A_434, %add3A_456 : vector<16xi32>
      %gather3A_458 = tpu.vector_load_idx %arg18[%add3A_457] : memref<256xf32, #tpu.memory_space<vmem>>[vector<16xi32>], vector<16xf32>,
      %add3A_459 = arith.addf %add3A_454, %gather3A_458 : vector<16xf32>
      %add3A_460 = arith.constant 6 : i32
      %add3A_461 = vector.broadcast %add3A_460 : i32 to vector<16xi32>
      %add3A_462 = arith.addi %mul3A_434, %add3A_461 : vector<16xi32>
      %gather3A_463 = tpu.vector_load_idx %arg18[%add3A_462] : memref<256xf32, #tpu.memory_space<vmem>>[vector<16xi32>], vector<16xf32>,
      %add3A_464 = arith.addf %add3A_459, %gather3A_463 : vector<16xf32>
      %add3A_465 = arith.constant 7 : i32
      %add3A_466 = vector.broadcast %add3A_465 : i32 to vector<16xi32>
      %add3A_467 = arith.addi %mul3A_434, %add3A_466 : vector<16xi32>
      %gather3A_468 = tpu.vector_load_idx %arg18[%add3A_467] : memref<256xf32, #tpu.memory_space<vmem>>[vector<16xi32>], vector<16xf32>,
      %add3A_469 = arith.addf %add3A_464, %gather3A_468 : vector<16xf32>
      %add3A_470 = arith.constant 8 : i32
      %add3A_471 = vector.broadcast %add3A_470 : i32 to vector<16xi32>
      %add3A_472 = arith.addi %mul3A_434, %add3A_471 : vector<16xi32>
      %gather3A_473 = tpu.vector_load_idx %arg18[%add3A_472] : memref<256xf32, #tpu.memory_space<vmem>>[vector<16xi32>], vector<16xf32>,
      %add3A_474 = arith.addf %add3A_469, %gather3A_473 : vector<16xf32>
      %add3A_475 = arith.constant 9 : i32
      %add3A_476 = vector.broadcast %add3A_475 : i32 to vector<16xi32>
      %add3A_477 = arith.addi %mul3A_434, %add3A_476 : vector<16xi32>
      %gather3A_478 = tpu.vector_load_idx %arg18[%add3A_477] : memref<256xf32, #tpu.memory_space<vmem>>[vector<16xi32>], vector<16xf32>,
      %add3A_479 = arith.addf %add3A_474, %gather3A_478 : vector<16xf32>
      %add3A_480 = arith.constant 10 : i32
      %add3A_481 = vector.broadcast %add3A_480 : i32 to vector<16xi32>
      %add3A_482 = arith.addi %mul3A_434, %add3A_481 : vector<16xi32>
      %gather3A_483 = tpu.vector_load_idx %arg18[%add3A_482] : memref<256xf32, #tpu.memory_space<vmem>>[vector<16xi32>], vector<16xf32>,
      %add3A_484 = arith.addf %add3A_479, %gather3A_483 : vector<16xf32>
      %add3A_485 = arith.constant 11 : i32
      %add3A_486 = vector.broadcast %add3A_485 : i32 to vector<16xi32>
      %add3A_487 = arith.addi %mul3A_434, %add3A_486 : vector<16xi32>
      %gather3A_488 = tpu.vector_load_idx %arg18[%add3A_487] : memref<256xf32, #tpu.memory_space<vmem>>[vector<16xi32>], vector<16xf32>,
      %add3A_489 = arith.addf %add3A_484, %gather3A_488 : vector<16xf32>
      %add3A_490 = arith.constant 12 : i32
      %add3A_491 = vector.broadcast %add3A_490 : i32 to vector<16xi32>
      %add3A_492 = arith.addi %mul3A_434, %add3A_491 : vector<16xi32>
      %gather3A_493 = tpu.vector_load_idx %arg18[%add3A_492] : memref<256xf32, #tpu.memory_space<vmem>>[vector<16xi32>], vector<16xf32>,
      %add3A_494 = arith.addf %add3A_489, %gather3A_493 : vector<16xf32>
      %add3A_495 = arith.constant 13 : i32
      %add3A_496 = vector.broadcast %add3A_495 : i32 to vector<16xi32>
      %add3A_497 = arith.addi %mul3A_434, %add3A_496 : vector<16xi32>
      %gather3A_498 = tpu.vector_load_idx %arg18[%add3A_497] : memref<256xf32, #tpu.memory_space<vmem>>[vector<16xi32>], vector<16xf32>,
      %add3A_499 = arith.addf %add3A_494, %gather3A_498 : vector<16xf32>
      %add3A_500 = arith.constant 14 : i32
      %add3A_501 = vector.broadcast %add3A_500 : i32 to vector<16xi32>
      %add3A_502 = arith.addi %mul3A_434, %add3A_501 : vector<16xi32>
      %gather3A_503 = tpu.vector_load_idx %arg18[%add3A_502] : memref<256xf32, #tpu.memory_space<vmem>>[vector<16xi32>], vector<16xf32>,
      %add3A_504 = arith.addf %add3A_499, %gather3A_503 : vector<16xf32>
      %add3A_505 = arith.constant 15 : i32
      %add3A_506 = vector.broadcast %add3A_505 : i32 to vector<16xi32>
      %add3A_507 = arith.addi %mul3A_434, %add3A_506 : vector<16xi32>
      %gather3A_508 = tpu.vector_load_idx %arg18[%add3A_507] : memref<256xf32, #tpu.memory_space<vmem>>[vector<16xi32>], vector<16xf32>,
      %add3A_509 = arith.addf %add3A_504, %gather3A_508 : vector<16xf32>
      %add3A_510 = arith.constant 128 : i32
      %add3A_511 = arith.addi %add3A_510, %mul3A_425 : i32
      %swap3A = arith.index_cast %add3A_511 : i32 to index
      %swap3A_512 = tpu.vector_load %arg16[%swap3A] {strides = array<i32>} : memref<512xf32, #tpu.memory_space<vmem>>, vector<16xf32>,
      tpu.vector_store %arg16[%swap3A], %add3A_509 {strides = array<i32>} : memref<512xf32, #tpu.memory_space<vmem>>, vector<16xf32>,
    }
    %scan3A_202 = arith.constant 8 : i32
    %dma_start3A_203 = arith.constant 0 : i32
    %dma_start3A_204 = arith.constant 256 : i32
    %dma_start3A_205 = tpu.memref_slice %arg14[%dma_start3A_204] : memref<512xf32, #tpu.memory_space<vmem>> -> memref<128xf32, #tpu.memory_space<vmem>>
    %dma_start3A_206 = arith.constant 256 : i32
    %dma_start3A_207 = tpu.memref_slice %arg10[%dma_start3A_206] : memref<512xi32, #tpu.memory_space<vmem>> -> memref<128xi32, #tpu.memory_space<vmem>>
    %dma_start3A_208 = arith.constant 0 : i32
    %dma_start3A_209 = tpu.memref_slice %arg6[%dma_start3A_203, %dma_start3A_208] : memref<1x100000xf32, #tpu.memory_space<hbm>> -> memref<1x100000xf32, #tpu.memory_space<hbm>>
    %dma_start3A_210 = tpu.memref_squeeze %dma_start3A_209 : memref<1x100000xf32, #tpu.memory_space<hbm>> -> memref<100000xf32, #tpu.memory_space<hbm>>
    %dma_start3A_211 = arith.constant 0 : i32
    %dma_start3A_212 = tpu.memref_slice %dma_start3A_210[%dma_start3A_211] : memref<100000xf32, #tpu.memory_space<hbm>> -> memref<100000xf32, #tpu.memory_space<hbm>>
    tpu.enqueue_indirect_dma source(%dma_start3A_212 : memref<100000xf32, #tpu.memory_space<hbm>>) target(%dma_start3A_205 : memref<128xf32, #tpu.memory_space<vmem>>) offsets(%dma_start3A_207 : memref<128xi32, #tpu.memory_space<vmem>>) semaphore(%arg21 : memref<!tpu.dma_semaphore, #tpu.memory_space<semaphore_mem>>)
    %dma_start3A_213 = arith.constant 0 : i32
    %dma_start3A_214 = arith.constant 256 : i32
    %dma_start3A_215 = tpu.memref_slice %arg15[%dma_start3A_214] : memref<512xf32, #tpu.memory_space<vmem>> -> memref<128xf32, #tpu.memory_space<vmem>>
    %dma_start3A_216 = arith.constant 256 : i32
    %dma_start3A_217 = tpu.memref_slice %arg11[%dma_start3A_216] : memref<512xi32, #tpu.memory_space<vmem>> -> memref<128xi32, #tpu.memory_space<vmem>>
    %dma_start3A_218 = arith.constant 0 : i32
    %dma_start3A_219 = tpu.memref_slice %arg7[%dma_start3A_213, %dma_start3A_218] : memref<1x100000xf32, #tpu.memory_space<hbm>> -> memref<1x100000xf32, #tpu.memory_space<hbm>>
    %dma_start3A_220 = tpu.memref_squeeze %dma_start3A_219 : memref<1x100000xf32, #tpu.memory_space<hbm>> -> memref<100000xf32, #tpu.memory_space<hbm>>
    %dma_start3A_221 = arith.constant 0 : i32
    %dma_start3A_222 = tpu.memref_slice %dma_start3A_220[%dma_start3A_221] : memref<100000xf32, #tpu.memory_space<hbm>> -> memref<100000xf32, #tpu.memory_space<hbm>>
    tpu.enqueue_indirect_dma source(%dma_start3A_222 : memref<100000xf32, #tpu.memory_space<hbm>>) target(%dma_start3A_215 : memref<128xf32, #tpu.memory_space<vmem>>) offsets(%dma_start3A_217 : memref<128xi32, #tpu.memory_space<vmem>>) semaphore(%arg21 : memref<!tpu.dma_semaphore, #tpu.memory_space<semaphore_mem>>)
    %dma_start3A_223 = arith.constant 1 : i32
    %dma_start3A_224 = arith.constant 0 : i32
    %dma_start3A_225 = arith.constant 0 : i32
    %dma_start3A_226 = tpu.memref_slice %arg12[%dma_start3A_223, %dma_start3A_224, %dma_start3A_225] : memref<2x128x128xf32, #tpu.memory_space<vmem>> -> memref<1x128x128xf32, #tpu.memory_space<vmem>>
    %dma_start3A_227 = tpu.memref_squeeze %dma_start3A_226 : memref<1x128x128xf32, #tpu.memory_space<vmem>> -> memref<128x128xf32, #tpu.memory_space<vmem>>
    %dma_start3A_228 = arith.constant 0 : i32
    %dma_start3A_229 = arith.constant 0 : i32
    %dma_start3A_230 = tpu.memref_slice %dma_start3A_227[%dma_start3A_228, %dma_start3A_229] : memref<128x128xf32, #tpu.memory_space<vmem>> -> memref<128x128xf32, #tpu.memory_space<vmem>>
    %dma_start3A_231 = arith.constant 384 : i32
    %dma_start3A_232 = tpu.memref_slice %arg10[%dma_start3A_231] : memref<512xi32, #tpu.memory_space<vmem>> -> memref<128xi32, #tpu.memory_space<vmem>>
    %dma_start3A_233 = arith.constant 0 : i32
    %dma_start3A_234 = arith.constant 0 : i32
    %dma_start3A_235 = tpu.memref_slice %arg4[%dma_start3A_233, %dma_start3A_234] : memref<100000x128xf32, #tpu.memory_space<hbm>> -> memref<100000x128xf32, #tpu.memory_space<hbm>>
    tpu.enqueue_indirect_dma source(%dma_start3A_235 : memref<100000x128xf32, #tpu.memory_space<hbm>>) target(%dma_start3A_230 : memref<128x128xf32, #tpu.memory_space<vmem>>) offsets(%dma_start3A_232 : memref<128xi32, #tpu.memory_space<vmem>>) semaphore(%arg20 : memref<!tpu.dma_semaphore, #tpu.memory_space<semaphore_mem>>)
    %dma_start3A_236 = arith.constant 1 : i32
    %dma_start3A_237 = arith.constant 0 : i32
    %dma_start3A_238 = arith.constant 0 : i32
    %dma_start3A_239 = tpu.memref_slice %arg13[%dma_start3A_236, %dma_start3A_237, %dma_start3A_238] : memref<2x128x128xf32, #tpu.memory_space<vmem>> -> memref<1x128x128xf32, #tpu.memory_space<vmem>>
    %dma_start3A_240 = tpu.memref_squeeze %dma_start3A_239 : memref<1x128x128xf32, #tpu.memory_space<vmem>> -> memref<128x128xf32, #tpu.memory_space<vmem>>
    %dma_start3A_241 = arith.constant 0 : i32
    %dma_start3A_242 = arith.constant 0 : i32
    %dma_start3A_243 = tpu.memref_slice %dma_start3A_240[%dma_start3A_241, %dma_start3A_242] : memref<128x128xf32, #tpu.memory_space<vmem>> -> memref<128x128xf32, #tpu.memory_space<vmem>>
    %dma_start3A_244 = arith.constant 384 : i32
    %dma_start3A_245 = tpu.memref_slice %arg11[%dma_start3A_244] : memref<512xi32, #tpu.memory_space<vmem>> -> memref<128xi32, #tpu.memory_space<vmem>>
    %dma_start3A_246 = arith.constant 0 : i32
    %dma_start3A_247 = arith.constant 0 : i32
    %dma_start3A_248 = tpu.memref_slice %arg5[%dma_start3A_246, %dma_start3A_247] : memref<100000x128xf32, #tpu.memory_space<hbm>> -> memref<100000x128xf32, #tpu.memory_space<hbm>>
    tpu.enqueue_indirect_dma source(%dma_start3A_248 : memref<100000x128xf32, #tpu.memory_space<hbm>>) target(%dma_start3A_243 : memref<128x128xf32, #tpu.memory_space<vmem>>) offsets(%dma_start3A_245 : memref<128xi32, #tpu.memory_space<vmem>>) semaphore(%arg20 : memref<!tpu.dma_semaphore, #tpu.memory_space<semaphore_mem>>)
    %dma_wait3A_249 = arith.constant 0 : i32
    %dma_wait3A_250 = arith.constant 0 : i32
    %dma_wait3A_251 = arith.constant 0 : i32
    %dma_wait3A_252 = tpu.memref_slice %arg12[%dma_wait3A_249, %dma_wait3A_250, %dma_wait3A_251] : memref<2x128x128xf32, #tpu.memory_space<vmem>> -> memref<1x128x128xf32, #tpu.memory_space<vmem>>
    %dma_wait3A_253 = tpu.memref_squeeze %dma_wait3A_252 : memref<1x128x128xf32, #tpu.memory_space<vmem>> -> memref<128x128xf32, #tpu.memory_space<vmem>>
    %dma_wait3A_254 = arith.constant 0 : i32
    %dma_wait3A_255 = arith.constant 0 : i32
    %dma_wait3A_256 = tpu.memref_slice %dma_wait3A_253[%dma_wait3A_254, %dma_wait3A_255] : memref<128x128xf32, #tpu.memory_space<vmem>> -> memref<128x128xf32, #tpu.memory_space<vmem>>
    %dma_wait3A_257 = arith.constant 256 : i32
    %dma_wait3A_258 = tpu.memref_slice %arg10[%dma_wait3A_257] : memref<512xi32, #tpu.memory_space<vmem>> -> memref<128xi32, #tpu.memory_space<vmem>>
    %dma_wait3A_259 = arith.constant 0 : i32
    %dma_wait3A_260 = arith.constant 0 : i32
    %dma_wait3A_261 = tpu.memref_slice %arg4[%dma_wait3A_259, %dma_wait3A_260] : memref<100000x128xf32, #tpu.memory_space<hbm>> -> memref<100000x128xf32, #tpu.memory_space<hbm>>
    tpu.wait_indirect_dma semaphore(%arg19 : memref<!tpu.dma_semaphore, #tpu.memory_space<semaphore_mem>>) src(%dma_wait3A_261 : memref<100000x128xf32, #tpu.memory_space<hbm>>) dst(%dma_wait3A_256 : memref<128x128xf32, #tpu.memory_space<vmem>>)
    %dma_wait3A_262 = arith.constant 0 : i32
    %dma_wait3A_263 = arith.constant 0 : i32
    %dma_wait3A_264 = arith.constant 0 : i32
    %dma_wait3A_265 = tpu.memref_slice %arg13[%dma_wait3A_262, %dma_wait3A_263, %dma_wait3A_264] : memref<2x128x128xf32, #tpu.memory_space<vmem>> -> memref<1x128x128xf32, #tpu.memory_space<vmem>>
    %dma_wait3A_266 = tpu.memref_squeeze %dma_wait3A_265 : memref<1x128x128xf32, #tpu.memory_space<vmem>> -> memref<128x128xf32, #tpu.memory_space<vmem>>
    %dma_wait3A_267 = arith.constant 0 : i32
    %dma_wait3A_268 = arith.constant 0 : i32
    %dma_wait3A_269 = tpu.memref_slice %dma_wait3A_266[%dma_wait3A_267, %dma_wait3A_268] : memref<128x128xf32, #tpu.memory_space<vmem>> -> memref<128x128xf32, #tpu.memory_space<vmem>>
    %dma_wait3A_270 = arith.constant 256 : i32
    %dma_wait3A_271 = tpu.memref_slice %arg11[%dma_wait3A_270] : memref<512xi32, #tpu.memory_space<vmem>> -> memref<128xi32, #tpu.memory_space<vmem>>
    %dma_wait3A_272 = arith.constant 0 : i32
    %dma_wait3A_273 = arith.constant 0 : i32
    %dma_wait3A_274 = tpu.memref_slice %arg5[%dma_wait3A_272, %dma_wait3A_273] : memref<100000x128xf32, #tpu.memory_space<hbm>> -> memref<100000x128xf32, #tpu.memory_space<hbm>>
    tpu.wait_indirect_dma semaphore(%arg19 : memref<!tpu.dma_semaphore, #tpu.memory_space<semaphore_mem>>) src(%dma_wait3A_274 : memref<100000x128xf32, #tpu.memory_space<hbm>>) dst(%dma_wait3A_269 : memref<128x128xf32, #tpu.memory_space<vmem>>)
    %scan3A_275 = arith.constant 0 : i32
    %scan3A_276 = arith.constant 0 : i32
    %scan3A_277 = arith.constant 0 : i32
    %scan3A_278 = arith.constant 0 : i32
    %scan3A_279 = arith.constant 8 : i32
    %scan3A_280 = arith.addi %scan3A_278, %scan3A_279 : i32
    %scan3A_281 = arith.constant 1 : i32
    scf.for %scan3A_423 = %scan3A_278 to %scan3A_280 step %scan3A_281  : i32 {
      %mul3A_424 = arith.constant 16 : i32
      %mul3A_425 = arith.muli %scan3A_423, %mul3A_424 : i32
      %scan3A_426 = arith.constant 0 : i32
      %scan3A_427 = arith.constant 0 : i32
      %scan3A_428 = arith.constant 16 : i32
      %scan3A_429 = arith.addi %scan3A_427, %scan3A_428 : i32
      %scan3A_430 = arith.constant 1 : i32
      scf.for %scan3A_513 = %scan3A_427 to %scan3A_429 step %scan3A_430  : i32 {
        %add3A_514 = arith.addi %mul3A_425, %scan3A_513 : i32
        %get3A_515 = arith.constant 0 : i32
        %get3A_516 = arith.constant 0 : i32
        %get3A_517 = tpu.memref_slice %arg12[%scan3A_276, %get3A_515, %get3A_516] : memref<2x128x128xf32, #tpu.memory_space<vmem>> -> memref<1x128x128xf32, #tpu.memory_space<vmem>>
        %get3A_518 = tpu.memref_squeeze %get3A_517 : memref<1x128x128xf32, #tpu.memory_space<vmem>> -> memref<128x128xf32, #tpu.memory_space<vmem>>
        %get3A_519 = arith.index_cast %add3A_514 : i32 to index
        %get3A_520 = arith.constant 0 : index
        %get3A_521 = tpu.vector_load %get3A_518[%get3A_519, %get3A_520] {strides = array<i32>} : memref<128x128xf32, #tpu.memory_space<vmem>>, vector<16xf32>,
        %get3A_522 = arith.constant 0 : i32
        %get3A_523 = arith.constant 0 : i32
        %get3A_524 = tpu.memref_slice %arg13[%scan3A_277, %get3A_522, %get3A_523] : memref<2x128x128xf32, #tpu.memory_space<vmem>> -> memref<1x128x128xf32, #tpu.memory_space<vmem>>
        %get3A_525 = tpu.memref_squeeze %get3A_524 : memref<1x128x128xf32, #tpu.memory_space<vmem>> -> memref<128x128xf32, #tpu.memory_space<vmem>>
        %get3A_526 = arith.index_cast %add3A_514 : i32 to index
        %get3A_527 = arith.constant 0 : index
        %get3A_528 = tpu.vector_load %get3A_525[%get3A_526, %get3A_527] {strides = array<i32>} : memref<128x128xf32, #tpu.memory_space<vmem>>, vector<16xf32>,
        %mul3A_529 = arith.mulf %get3A_521, %get3A_528 : vector<16xf32>
        %scan3A_530 = arith.constant 1 : i32
        %scan3A_531 = arith.constant 7 : i32
        %scan3A_532 = arith.addi %scan3A_530, %scan3A_531 : i32
        %scan3A_533 = arith.constant 1 : i32
        %scan3A_534 = scf.for %scan3A_540 = %scan3A_530 to %scan3A_532 step %scan3A_533 iter_args(%scan3A_541 = %mul3A_529) -> (vector<16xf32>)  : i32 {
          %mul3A_542 = arith.constant 16 : i32
          %mul3A_543 = arith.muli %scan3A_540, %mul3A_542 : i32
          %get3A_544 = arith.constant 0 : i32
          %get3A_545 = arith.constant 0 : i32
          %get3A_546 = tpu.memref_slice %arg12[%scan3A_276, %get3A_544, %get3A_545] : memref<2x128x128xf32, #tpu.memory_space<vmem>> -> memref<1x128x128xf32, #tpu.memory_space<vmem>>
          %get3A_547 = tpu.memref_squeeze %get3A_546 : memref<1x128x128xf32, #tpu.memory_space<vmem>> -> memref<128x128xf32, #tpu.memory_space<vmem>>
          %get3A_548 = arith.index_cast %add3A_514 : i32 to index
          %get3A_549 = arith.index_cast %mul3A_543 : i32 to index
          %get3A_550 = tpu.vector_load %get3A_547[%get3A_548, %get3A_549] {strides = array<i32>} : memref<128x128xf32, #tpu.memory_space<vmem>>, vector<16xf32>,
          %mul3A_551 = arith.constant 16 : i32
          %mul3A_552 = arith.muli %scan3A_540, %mul3A_551 : i32
          %get3A_553 = arith.constant 0 : i32
          %get3A_554 = arith.constant 0 : i32
          %get3A_555 = tpu.memref_slice %arg13[%scan3A_277, %get3A_553, %get3A_554] : memref<2x128x128xf32, #tpu.memory_space<vmem>> -> memref<1x128x128xf32, #tpu.memory_space<vmem>>
          %get3A_556 = tpu.memref_squeeze %get3A_555 : memref<1x128x128xf32, #tpu.memory_space<vmem>> -> memref<128x128xf32, #tpu.memory_space<vmem>>
          %get3A_557 = arith.index_cast %add3A_514 : i32 to index
          %get3A_558 = arith.index_cast %mul3A_552 : i32 to index
          %get3A_559 = tpu.vector_load %get3A_556[%get3A_557, %get3A_558] {strides = array<i32>} : memref<128x128xf32, #tpu.memory_space<vmem>>, vector<16xf32>,
          %mul3A_560 = arith.mulf %get3A_550, %get3A_559 : vector<16xf32>
          %add3A_561 = arith.addf %scan3A_541, %mul3A_560 : vector<16xf32>
          scf.yield %add3A_561 : vector<16xf32>
        }
        %scan3A_535 = arith.constant 7 : i32
        %mul3A_536 = arith.constant 16 : i32
        %mul3A_537 = arith.muli %scan3A_513, %mul3A_536 : i32
        %swap3A_538 = arith.index_cast %mul3A_537 : i32 to index
        %swap3A_539 = tpu.vector_load %arg18[%swap3A_538] {strides = array<i32>} : memref<256xf32, #tpu.memory_space<vmem>>, vector<16xf32>,
        tpu.vector_store %arg18[%swap3A_538], %scan3A_534 {strides = array<i32>} : memref<256xf32, #tpu.memory_space<vmem>>, vector<16xf32>,
      }
      %scan3A_431 = arith.constant 16 : i32
      %mul3A_432 = arith.constant 16 : i32
      %mul3A_433 = vector.broadcast %mul3A_432 : i32 to vector<16xi32>
      %mul3A_434 = arith.muli %iota3A, %mul3A_433 : vector<16xi32>
      %gather3A = tpu.vector_load_idx %arg18[%mul3A_434] : memref<256xf32, #tpu.memory_space<vmem>>[vector<16xi32>], vector<16xf32>,
      %add3A_435 = arith.constant 1 : i32
      %add3A_436 = vector.broadcast %add3A_435 : i32 to vector<16xi32>
      %add3A_437 = arith.addi %mul3A_434, %add3A_436 : vector<16xi32>
      %gather3A_438 = tpu.vector_load_idx %arg18[%add3A_437] : memref<256xf32, #tpu.memory_space<vmem>>[vector<16xi32>], vector<16xf32>,
      %add3A_439 = arith.addf %gather3A, %gather3A_438 : vector<16xf32>
      %add3A_440 = arith.constant 2 : i32
      %add3A_441 = vector.broadcast %add3A_440 : i32 to vector<16xi32>
      %add3A_442 = arith.addi %mul3A_434, %add3A_441 : vector<16xi32>
      %gather3A_443 = tpu.vector_load_idx %arg18[%add3A_442] : memref<256xf32, #tpu.memory_space<vmem>>[vector<16xi32>], vector<16xf32>,
      %add3A_444 = arith.addf %add3A_439, %gather3A_443 : vector<16xf32>
      %add3A_445 = arith.constant 3 : i32
      %add3A_446 = vector.broadcast %add3A_445 : i32 to vector<16xi32>
      %add3A_447 = arith.addi %mul3A_434, %add3A_446 : vector<16xi32>
      %gather3A_448 = tpu.vector_load_idx %arg18[%add3A_447] : memref<256xf32, #tpu.memory_space<vmem>>[vector<16xi32>], vector<16xf32>,
      %add3A_449 = arith.addf %add3A_444, %gather3A_448 : vector<16xf32>
      %add3A_450 = arith.constant 4 : i32
      %add3A_451 = vector.broadcast %add3A_450 : i32 to vector<16xi32>
      %add3A_452 = arith.addi %mul3A_434, %add3A_451 : vector<16xi32>
      %gather3A_453 = tpu.vector_load_idx %arg18[%add3A_452] : memref<256xf32, #tpu.memory_space<vmem>>[vector<16xi32>], vector<16xf32>,
      %add3A_454 = arith.addf %add3A_449, %gather3A_453 : vector<16xf32>
      %add3A_455 = arith.constant 5 : i32
      %add3A_456 = vector.broadcast %add3A_455 : i32 to vector<16xi32>
      %add3A_457 = arith.addi %mul3A_434, %add3A_456 : vector<16xi32>
      %gather3A_458 = tpu.vector_load_idx %arg18[%add3A_457] : memref<256xf32, #tpu.memory_space<vmem>>[vector<16xi32>], vector<16xf32>,
      %add3A_459 = arith.addf %add3A_454, %gather3A_458 : vector<16xf32>
      %add3A_460 = arith.constant 6 : i32
      %add3A_461 = vector.broadcast %add3A_460 : i32 to vector<16xi32>
      %add3A_462 = arith.addi %mul3A_434, %add3A_461 : vector<16xi32>
      %gather3A_463 = tpu.vector_load_idx %arg18[%add3A_462] : memref<256xf32, #tpu.memory_space<vmem>>[vector<16xi32>], vector<16xf32>,
      %add3A_464 = arith.addf %add3A_459, %gather3A_463 : vector<16xf32>
      %add3A_465 = arith.constant 7 : i32
      %add3A_466 = vector.broadcast %add3A_465 : i32 to vector<16xi32>
      %add3A_467 = arith.addi %mul3A_434, %add3A_466 : vector<16xi32>
      %gather3A_468 = tpu.vector_load_idx %arg18[%add3A_467] : memref<256xf32, #tpu.memory_space<vmem>>[vector<16xi32>], vector<16xf32>,
      %add3A_469 = arith.addf %add3A_464, %gather3A_468 : vector<16xf32>
      %add3A_470 = arith.constant 8 : i32
      %add3A_471 = vector.broadcast %add3A_470 : i32 to vector<16xi32>
      %add3A_472 = arith.addi %mul3A_434, %add3A_471 : vector<16xi32>
      %gather3A_473 = tpu.vector_load_idx %arg18[%add3A_472] : memref<256xf32, #tpu.memory_space<vmem>>[vector<16xi32>], vector<16xf32>,
      %add3A_474 = arith.addf %add3A_469, %gather3A_473 : vector<16xf32>
      %add3A_475 = arith.constant 9 : i32
      %add3A_476 = vector.broadcast %add3A_475 : i32 to vector<16xi32>
      %add3A_477 = arith.addi %mul3A_434, %add3A_476 : vector<16xi32>
      %gather3A_478 = tpu.vector_load_idx %arg18[%add3A_477] : memref<256xf32, #tpu.memory_space<vmem>>[vector<16xi32>], vector<16xf32>,
      %add3A_479 = arith.addf %add3A_474, %gather3A_478 : vector<16xf32>
      %add3A_480 = arith.constant 10 : i32
      %add3A_481 = vector.broadcast %add3A_480 : i32 to vector<16xi32>
      %add3A_482 = arith.addi %mul3A_434, %add3A_481 : vector<16xi32>
      %gather3A_483 = tpu.vector_load_idx %arg18[%add3A_482] : memref<256xf32, #tpu.memory_space<vmem>>[vector<16xi32>], vector<16xf32>,
      %add3A_484 = arith.addf %add3A_479, %gather3A_483 : vector<16xf32>
      %add3A_485 = arith.constant 11 : i32
      %add3A_486 = vector.broadcast %add3A_485 : i32 to vector<16xi32>
      %add3A_487 = arith.addi %mul3A_434, %add3A_486 : vector<16xi32>
      %gather3A_488 = tpu.vector_load_idx %arg18[%add3A_487] : memref<256xf32, #tpu.memory_space<vmem>>[vector<16xi32>], vector<16xf32>,
      %add3A_489 = arith.addf %add3A_484, %gather3A_488 : vector<16xf32>
      %add3A_490 = arith.constant 12 : i32
      %add3A_491 = vector.broadcast %add3A_490 : i32 to vector<16xi32>
      %add3A_492 = arith.addi %mul3A_434, %add3A_491 : vector<16xi32>
      %gather3A_493 = tpu.vector_load_idx %arg18[%add3A_492] : memref<256xf32, #tpu.memory_space<vmem>>[vector<16xi32>], vector<16xf32>,
      %add3A_494 = arith.addf %add3A_489, %gather3A_493 : vector<16xf32>
      %add3A_495 = arith.constant 13 : i32
      %add3A_496 = vector.broadcast %add3A_495 : i32 to vector<16xi32>
      %add3A_497 = arith.addi %mul3A_434, %add3A_496 : vector<16xi32>
      %gather3A_498 = tpu.vector_load_idx %arg18[%add3A_497] : memref<256xf32, #tpu.memory_space<vmem>>[vector<16xi32>], vector<16xf32>,
      %add3A_499 = arith.addf %add3A_494, %gather3A_498 : vector<16xf32>
      %add3A_500 = arith.constant 14 : i32
      %add3A_501 = vector.broadcast %add3A_500 : i32 to vector<16xi32>
      %add3A_502 = arith.addi %mul3A_434, %add3A_501 : vector<16xi32>
      %gather3A_503 = tpu.vector_load_idx %arg18[%add3A_502] : memref<256xf32, #tpu.memory_space<vmem>>[vector<16xi32>], vector<16xf32>,
      %add3A_504 = arith.addf %add3A_499, %gather3A_503 : vector<16xf32>
      %add3A_505 = arith.constant 15 : i32
      %add3A_506 = vector.broadcast %add3A_505 : i32 to vector<16xi32>
      %add3A_507 = arith.addi %mul3A_434, %add3A_506 : vector<16xi32>
      %gather3A_508 = tpu.vector_load_idx %arg18[%add3A_507] : memref<256xf32, #tpu.memory_space<vmem>>[vector<16xi32>], vector<16xf32>,
      %add3A_509 = arith.addf %add3A_504, %gather3A_508 : vector<16xf32>
      %add3A_510 = arith.constant 256 : i32
      %add3A_511 = arith.addi %add3A_510, %mul3A_425 : i32
      %swap3A = arith.index_cast %add3A_511 : i32 to index
      %swap3A_512 = tpu.vector_load %arg16[%swap3A] {strides = array<i32>} : memref<512xf32, #tpu.memory_space<vmem>>, vector<16xf32>,
      tpu.vector_store %arg16[%swap3A], %add3A_509 {strides = array<i32>} : memref<512xf32, #tpu.memory_space<vmem>>, vector<16xf32>,
    }
    %scan3A_282 = arith.constant 8 : i32
    %dma_start3A_283 = arith.constant 0 : i32
    %dma_start3A_284 = arith.constant 384 : i32
    %dma_start3A_285 = tpu.memref_slice %arg14[%dma_start3A_284] : memref<512xf32, #tpu.memory_space<vmem>> -> memref<128xf32, #tpu.memory_space<vmem>>
    %dma_start3A_286 = arith.constant 384 : i32
    %dma_start3A_287 = tpu.memref_slice %arg10[%dma_start3A_286] : memref<512xi32, #tpu.memory_space<vmem>> -> memref<128xi32, #tpu.memory_space<vmem>>
    %dma_start3A_288 = arith.constant 0 : i32
    %dma_start3A_289 = tpu.memref_slice %arg6[%dma_start3A_283, %dma_start3A_288] : memref<1x100000xf32, #tpu.memory_space<hbm>> -> memref<1x100000xf32, #tpu.memory_space<hbm>>
    %dma_start3A_290 = tpu.memref_squeeze %dma_start3A_289 : memref<1x100000xf32, #tpu.memory_space<hbm>> -> memref<100000xf32, #tpu.memory_space<hbm>>
    %dma_start3A_291 = arith.constant 0 : i32
    %dma_start3A_292 = tpu.memref_slice %dma_start3A_290[%dma_start3A_291] : memref<100000xf32, #tpu.memory_space<hbm>> -> memref<100000xf32, #tpu.memory_space<hbm>>
    tpu.enqueue_indirect_dma source(%dma_start3A_292 : memref<100000xf32, #tpu.memory_space<hbm>>) target(%dma_start3A_285 : memref<128xf32, #tpu.memory_space<vmem>>) offsets(%dma_start3A_287 : memref<128xi32, #tpu.memory_space<vmem>>) semaphore(%arg21 : memref<!tpu.dma_semaphore, #tpu.memory_space<semaphore_mem>>)
    %dma_start3A_293 = arith.constant 0 : i32
    %dma_start3A_294 = arith.constant 384 : i32
    %dma_start3A_295 = tpu.memref_slice %arg15[%dma_start3A_294] : memref<512xf32, #tpu.memory_space<vmem>> -> memref<128xf32, #tpu.memory_space<vmem>>
    %dma_start3A_296 = arith.constant 384 : i32
    %dma_start3A_297 = tpu.memref_slice %arg11[%dma_start3A_296] : memref<512xi32, #tpu.memory_space<vmem>> -> memref<128xi32, #tpu.memory_space<vmem>>
    %dma_start3A_298 = arith.constant 0 : i32
    %dma_start3A_299 = tpu.memref_slice %arg7[%dma_start3A_293, %dma_start3A_298] : memref<1x100000xf32, #tpu.memory_space<hbm>> -> memref<1x100000xf32, #tpu.memory_space<hbm>>
    %dma_start3A_300 = tpu.memref_squeeze %dma_start3A_299 : memref<1x100000xf32, #tpu.memory_space<hbm>> -> memref<100000xf32, #tpu.memory_space<hbm>>
    %dma_start3A_301 = arith.constant 0 : i32
    %dma_start3A_302 = tpu.memref_slice %dma_start3A_300[%dma_start3A_301] : memref<100000xf32, #tpu.memory_space<hbm>> -> memref<100000xf32, #tpu.memory_space<hbm>>
    tpu.enqueue_indirect_dma source(%dma_start3A_302 : memref<100000xf32, #tpu.memory_space<hbm>>) target(%dma_start3A_295 : memref<128xf32, #tpu.memory_space<vmem>>) offsets(%dma_start3A_297 : memref<128xi32, #tpu.memory_space<vmem>>) semaphore(%arg21 : memref<!tpu.dma_semaphore, #tpu.memory_space<semaphore_mem>>)
    %dma_wait3A_303 = arith.constant 1 : i32
    %dma_wait3A_304 = arith.constant 0 : i32
    %dma_wait3A_305 = arith.constant 0 : i32
    %dma_wait3A_306 = tpu.memref_slice %arg12[%dma_wait3A_303, %dma_wait3A_304, %dma_wait3A_305] : memref<2x128x128xf32, #tpu.memory_space<vmem>> -> memref<1x128x128xf32, #tpu.memory_space<vmem>>
    %dma_wait3A_307 = tpu.memref_squeeze %dma_wait3A_306 : memref<1x128x128xf32, #tpu.memory_space<vmem>> -> memref<128x128xf32, #tpu.memory_space<vmem>>
    %dma_wait3A_308 = arith.constant 0 : i32
    %dma_wait3A_309 = arith.constant 0 : i32
    %dma_wait3A_310 = tpu.memref_slice %dma_wait3A_307[%dma_wait3A_308, %dma_wait3A_309] : memref<128x128xf32, #tpu.memory_space<vmem>> -> memref<128x128xf32, #tpu.memory_space<vmem>>
    %dma_wait3A_311 = arith.constant 384 : i32
    %dma_wait3A_312 = tpu.memref_slice %arg10[%dma_wait3A_311] : memref<512xi32, #tpu.memory_space<vmem>> -> memref<128xi32, #tpu.memory_space<vmem>>
    %dma_wait3A_313 = arith.constant 0 : i32
    %dma_wait3A_314 = arith.constant 0 : i32
    %dma_wait3A_315 = tpu.memref_slice %arg4[%dma_wait3A_313, %dma_wait3A_314] : memref<100000x128xf32, #tpu.memory_space<hbm>> -> memref<100000x128xf32, #tpu.memory_space<hbm>>
    tpu.wait_indirect_dma semaphore(%arg20 : memref<!tpu.dma_semaphore, #tpu.memory_space<semaphore_mem>>) src(%dma_wait3A_315 : memref<100000x128xf32, #tpu.memory_space<hbm>>) dst(%dma_wait3A_310 : memref<128x128xf32, #tpu.memory_space<vmem>>)
    %dma_wait3A_316 = arith.constant 1 : i32
    %dma_wait3A_317 = arith.constant 0 : i32
    %dma_wait3A_318 = arith.constant 0 : i32
    %dma_wait3A_319 = tpu.memref_slice %arg13[%dma_wait3A_316, %dma_wait3A_317, %dma_wait3A_318] : memref<2x128x128xf32, #tpu.memory_space<vmem>> -> memref<1x128x128xf32, #tpu.memory_space<vmem>>
    %dma_wait3A_320 = tpu.memref_squeeze %dma_wait3A_319 : memref<1x128x128xf32, #tpu.memory_space<vmem>> -> memref<128x128xf32, #tpu.memory_space<vmem>>
    %dma_wait3A_321 = arith.constant 0 : i32
    %dma_wait3A_322 = arith.constant 0 : i32
    %dma_wait3A_323 = tpu.memref_slice %dma_wait3A_320[%dma_wait3A_321, %dma_wait3A_322] : memref<128x128xf32, #tpu.memory_space<vmem>> -> memref<128x128xf32, #tpu.memory_space<vmem>>
    %dma_wait3A_324 = arith.constant 384 : i32
    %dma_wait3A_325 = tpu.memref_slice %arg11[%dma_wait3A_324] : memref<512xi32, #tpu.memory_space<vmem>> -> memref<128xi32, #tpu.memory_space<vmem>>
    %dma_wait3A_326 = arith.constant 0 : i32
    %dma_wait3A_327 = arith.constant 0 : i32
    %dma_wait3A_328 = tpu.memref_slice %arg5[%dma_wait3A_326, %dma_wait3A_327] : memref<100000x128xf32, #tpu.memory_space<hbm>> -> memref<100000x128xf32, #tpu.memory_space<hbm>>
    tpu.wait_indirect_dma semaphore(%arg20 : memref<!tpu.dma_semaphore, #tpu.memory_space<semaphore_mem>>) src(%dma_wait3A_328 : memref<100000x128xf32, #tpu.memory_space<hbm>>) dst(%dma_wait3A_323 : memref<128x128xf32, #tpu.memory_space<vmem>>)
    %scan3A_329 = arith.constant 0 : i32
    %scan3A_330 = arith.constant 1 : i32
    %scan3A_331 = arith.constant 1 : i32
    %scan3A_332 = arith.constant 0 : i32
    %scan3A_333 = arith.constant 8 : i32
    %scan3A_334 = arith.addi %scan3A_332, %scan3A_333 : i32
    %scan3A_335 = arith.constant 1 : i32
    scf.for %scan3A_423 = %scan3A_332 to %scan3A_334 step %scan3A_335  : i32 {
      %mul3A_424 = arith.constant 16 : i32
      %mul3A_425 = arith.muli %scan3A_423, %mul3A_424 : i32
      %scan3A_426 = arith.constant 0 : i32
      %scan3A_427 = arith.constant 0 : i32
      %scan3A_428 = arith.constant 16 : i32
      %scan3A_429 = arith.addi %scan3A_427, %scan3A_428 : i32
      %scan3A_430 = arith.constant 1 : i32
      scf.for %scan3A_513 = %scan3A_427 to %scan3A_429 step %scan3A_430  : i32 {
        %add3A_514 = arith.addi %mul3A_425, %scan3A_513 : i32
        %get3A_515 = arith.constant 0 : i32
        %get3A_516 = arith.constant 0 : i32
        %get3A_517 = tpu.memref_slice %arg12[%scan3A_330, %get3A_515, %get3A_516] : memref<2x128x128xf32, #tpu.memory_space<vmem>> -> memref<1x128x128xf32, #tpu.memory_space<vmem>>
        %get3A_518 = tpu.memref_squeeze %get3A_517 : memref<1x128x128xf32, #tpu.memory_space<vmem>> -> memref<128x128xf32, #tpu.memory_space<vmem>>
        %get3A_519 = arith.index_cast %add3A_514 : i32 to index
        %get3A_520 = arith.constant 0 : index
        %get3A_521 = tpu.vector_load %get3A_518[%get3A_519, %get3A_520] {strides = array<i32>} : memref<128x128xf32, #tpu.memory_space<vmem>>, vector<16xf32>,
        %get3A_522 = arith.constant 0 : i32
        %get3A_523 = arith.constant 0 : i32
        %get3A_524 = tpu.memref_slice %arg13[%scan3A_331, %get3A_522, %get3A_523] : memref<2x128x128xf32, #tpu.memory_space<vmem>> -> memref<1x128x128xf32, #tpu.memory_space<vmem>>
        %get3A_525 = tpu.memref_squeeze %get3A_524 : memref<1x128x128xf32, #tpu.memory_space<vmem>> -> memref<128x128xf32, #tpu.memory_space<vmem>>
        %get3A_526 = arith.index_cast %add3A_514 : i32 to index
        %get3A_527 = arith.constant 0 : index
        %get3A_528 = tpu.vector_load %get3A_525[%get3A_526, %get3A_527] {strides = array<i32>} : memref<128x128xf32, #tpu.memory_space<vmem>>, vector<16xf32>,
        %mul3A_529 = arith.mulf %get3A_521, %get3A_528 : vector<16xf32>
        %scan3A_530 = arith.constant 1 : i32
        %scan3A_531 = arith.constant 7 : i32
        %scan3A_532 = arith.addi %scan3A_530, %scan3A_531 : i32
        %scan3A_533 = arith.constant 1 : i32
        %scan3A_534 = scf.for %scan3A_540 = %scan3A_530 to %scan3A_532 step %scan3A_533 iter_args(%scan3A_541 = %mul3A_529) -> (vector<16xf32>)  : i32 {
          %mul3A_542 = arith.constant 16 : i32
          %mul3A_543 = arith.muli %scan3A_540, %mul3A_542 : i32
          %get3A_544 = arith.constant 0 : i32
          %get3A_545 = arith.constant 0 : i32
          %get3A_546 = tpu.memref_slice %arg12[%scan3A_330, %get3A_544, %get3A_545] : memref<2x128x128xf32, #tpu.memory_space<vmem>> -> memref<1x128x128xf32, #tpu.memory_space<vmem>>
          %get3A_547 = tpu.memref_squeeze %get3A_546 : memref<1x128x128xf32, #tpu.memory_space<vmem>> -> memref<128x128xf32, #tpu.memory_space<vmem>>
          %get3A_548 = arith.index_cast %add3A_514 : i32 to index
          %get3A_549 = arith.index_cast %mul3A_543 : i32 to index
          %get3A_550 = tpu.vector_load %get3A_547[%get3A_548, %get3A_549] {strides = array<i32>} : memref<128x128xf32, #tpu.memory_space<vmem>>, vector<16xf32>,
          %mul3A_551 = arith.constant 16 : i32
          %mul3A_552 = arith.muli %scan3A_540, %mul3A_551 : i32
          %get3A_553 = arith.constant 0 : i32
          %get3A_554 = arith.constant 0 : i32
          %get3A_555 = tpu.memref_slice %arg13[%scan3A_331, %get3A_553, %get3A_554] : memref<2x128x128xf32, #tpu.memory_space<vmem>> -> memref<1x128x128xf32, #tpu.memory_space<vmem>>
          %get3A_556 = tpu.memref_squeeze %get3A_555 : memref<1x128x128xf32, #tpu.memory_space<vmem>> -> memref<128x128xf32, #tpu.memory_space<vmem>>
          %get3A_557 = arith.index_cast %add3A_514 : i32 to index
          %get3A_558 = arith.index_cast %mul3A_552 : i32 to index
          %get3A_559 = tpu.vector_load %get3A_556[%get3A_557, %get3A_558] {strides = array<i32>} : memref<128x128xf32, #tpu.memory_space<vmem>>, vector<16xf32>,
          %mul3A_560 = arith.mulf %get3A_550, %get3A_559 : vector<16xf32>
          %add3A_561 = arith.addf %scan3A_541, %mul3A_560 : vector<16xf32>
          scf.yield %add3A_561 : vector<16xf32>
        }
        %scan3A_535 = arith.constant 7 : i32
        %mul3A_536 = arith.constant 16 : i32
        %mul3A_537 = arith.muli %scan3A_513, %mul3A_536 : i32
        %swap3A_538 = arith.index_cast %mul3A_537 : i32 to index
        %swap3A_539 = tpu.vector_load %arg18[%swap3A_538] {strides = array<i32>} : memref<256xf32, #tpu.memory_space<vmem>>, vector<16xf32>,
        tpu.vector_store %arg18[%swap3A_538], %scan3A_534 {strides = array<i32>} : memref<256xf32, #tpu.memory_space<vmem>>, vector<16xf32>,
      }
      %scan3A_431 = arith.constant 16 : i32
      %mul3A_432 = arith.constant 16 : i32
      %mul3A_433 = vector.broadcast %mul3A_432 : i32 to vector<16xi32>
      %mul3A_434 = arith.muli %iota3A, %mul3A_433 : vector<16xi32>
      %gather3A = tpu.vector_load_idx %arg18[%mul3A_434] : memref<256xf32, #tpu.memory_space<vmem>>[vector<16xi32>], vector<16xf32>,
      %add3A_435 = arith.constant 1 : i32
      %add3A_436 = vector.broadcast %add3A_435 : i32 to vector<16xi32>
      %add3A_437 = arith.addi %mul3A_434, %add3A_436 : vector<16xi32>
      %gather3A_438 = tpu.vector_load_idx %arg18[%add3A_437] : memref<256xf32, #tpu.memory_space<vmem>>[vector<16xi32>], vector<16xf32>,
      %add3A_439 = arith.addf %gather3A, %gather3A_438 : vector<16xf32>
      %add3A_440 = arith.constant 2 : i32
      %add3A_441 = vector.broadcast %add3A_440 : i32 to vector<16xi32>
      %add3A_442 = arith.addi %mul3A_434, %add3A_441 : vector<16xi32>
      %gather3A_443 = tpu.vector_load_idx %arg18[%add3A_442] : memref<256xf32, #tpu.memory_space<vmem>>[vector<16xi32>], vector<16xf32>,
      %add3A_444 = arith.addf %add3A_439, %gather3A_443 : vector<16xf32>
      %add3A_445 = arith.constant 3 : i32
      %add3A_446 = vector.broadcast %add3A_445 : i32 to vector<16xi32>
      %add3A_447 = arith.addi %mul3A_434, %add3A_446 : vector<16xi32>
      %gather3A_448 = tpu.vector_load_idx %arg18[%add3A_447] : memref<256xf32, #tpu.memory_space<vmem>>[vector<16xi32>], vector<16xf32>,
      %add3A_449 = arith.addf %add3A_444, %gather3A_448 : vector<16xf32>
      %add3A_450 = arith.constant 4 : i32
      %add3A_451 = vector.broadcast %add3A_450 : i32 to vector<16xi32>
      %add3A_452 = arith.addi %mul3A_434, %add3A_451 : vector<16xi32>
      %gather3A_453 = tpu.vector_load_idx %arg18[%add3A_452] : memref<256xf32, #tpu.memory_space<vmem>>[vector<16xi32>], vector<16xf32>,
      %add3A_454 = arith.addf %add3A_449, %gather3A_453 : vector<16xf32>
      %add3A_455 = arith.constant 5 : i32
      %add3A_456 = vector.broadcast %add3A_455 : i32 to vector<16xi32>
      %add3A_457 = arith.addi %mul3A_434, %add3A_456 : vector<16xi32>
      %gather3A_458 = tpu.vector_load_idx %arg18[%add3A_457] : memref<256xf32, #tpu.memory_space<vmem>>[vector<16xi32>], vector<16xf32>,
      %add3A_459 = arith.addf %add3A_454, %gather3A_458 : vector<16xf32>
      %add3A_460 = arith.constant 6 : i32
      %add3A_461 = vector.broadcast %add3A_460 : i32 to vector<16xi32>
      %add3A_462 = arith.addi %mul3A_434, %add3A_461 : vector<16xi32>
      %gather3A_463 = tpu.vector_load_idx %arg18[%add3A_462] : memref<256xf32, #tpu.memory_space<vmem>>[vector<16xi32>], vector<16xf32>,
      %add3A_464 = arith.addf %add3A_459, %gather3A_463 : vector<16xf32>
      %add3A_465 = arith.constant 7 : i32
      %add3A_466 = vector.broadcast %add3A_465 : i32 to vector<16xi32>
      %add3A_467 = arith.addi %mul3A_434, %add3A_466 : vector<16xi32>
      %gather3A_468 = tpu.vector_load_idx %arg18[%add3A_467] : memref<256xf32, #tpu.memory_space<vmem>>[vector<16xi32>], vector<16xf32>,
      %add3A_469 = arith.addf %add3A_464, %gather3A_468 : vector<16xf32>
      %add3A_470 = arith.constant 8 : i32
      %add3A_471 = vector.broadcast %add3A_470 : i32 to vector<16xi32>
      %add3A_472 = arith.addi %mul3A_434, %add3A_471 : vector<16xi32>
      %gather3A_473 = tpu.vector_load_idx %arg18[%add3A_472] : memref<256xf32, #tpu.memory_space<vmem>>[vector<16xi32>], vector<16xf32>,
      %add3A_474 = arith.addf %add3A_469, %gather3A_473 : vector<16xf32>
      %add3A_475 = arith.constant 9 : i32
      %add3A_476 = vector.broadcast %add3A_475 : i32 to vector<16xi32>
      %add3A_477 = arith.addi %mul3A_434, %add3A_476 : vector<16xi32>
      %gather3A_478 = tpu.vector_load_idx %arg18[%add3A_477] : memref<256xf32, #tpu.memory_space<vmem>>[vector<16xi32>], vector<16xf32>,
      %add3A_479 = arith.addf %add3A_474, %gather3A_478 : vector<16xf32>
      %add3A_480 = arith.constant 10 : i32
      %add3A_481 = vector.broadcast %add3A_480 : i32 to vector<16xi32>
      %add3A_482 = arith.addi %mul3A_434, %add3A_481 : vector<16xi32>
      %gather3A_483 = tpu.vector_load_idx %arg18[%add3A_482] : memref<256xf32, #tpu.memory_space<vmem>>[vector<16xi32>], vector<16xf32>,
      %add3A_484 = arith.addf %add3A_479, %gather3A_483 : vector<16xf32>
      %add3A_485 = arith.constant 11 : i32
      %add3A_486 = vector.broadcast %add3A_485 : i32 to vector<16xi32>
      %add3A_487 = arith.addi %mul3A_434, %add3A_486 : vector<16xi32>
      %gather3A_488 = tpu.vector_load_idx %arg18[%add3A_487] : memref<256xf32, #tpu.memory_space<vmem>>[vector<16xi32>], vector<16xf32>,
      %add3A_489 = arith.addf %add3A_484, %gather3A_488 : vector<16xf32>
      %add3A_490 = arith.constant 12 : i32
      %add3A_491 = vector.broadcast %add3A_490 : i32 to vector<16xi32>
      %add3A_492 = arith.addi %mul3A_434, %add3A_491 : vector<16xi32>
      %gather3A_493 = tpu.vector_load_idx %arg18[%add3A_492] : memref<256xf32, #tpu.memory_space<vmem>>[vector<16xi32>], vector<16xf32>,
      %add3A_494 = arith.addf %add3A_489, %gather3A_493 : vector<16xf32>
      %add3A_495 = arith.constant 13 : i32
      %add3A_496 = vector.broadcast %add3A_495 : i32 to vector<16xi32>
      %add3A_497 = arith.addi %mul3A_434, %add3A_496 : vector<16xi32>
      %gather3A_498 = tpu.vector_load_idx %arg18[%add3A_497] : memref<256xf32, #tpu.memory_space<vmem>>[vector<16xi32>], vector<16xf32>,
      %add3A_499 = arith.addf %add3A_494, %gather3A_498 : vector<16xf32>
      %add3A_500 = arith.constant 14 : i32
      %add3A_501 = vector.broadcast %add3A_500 : i32 to vector<16xi32>
      %add3A_502 = arith.addi %mul3A_434, %add3A_501 : vector<16xi32>
      %gather3A_503 = tpu.vector_load_idx %arg18[%add3A_502] : memref<256xf32, #tpu.memory_space<vmem>>[vector<16xi32>], vector<16xf32>,
      %add3A_504 = arith.addf %add3A_499, %gather3A_503 : vector<16xf32>
      %add3A_505 = arith.constant 15 : i32
      %add3A_506 = vector.broadcast %add3A_505 : i32 to vector<16xi32>
      %add3A_507 = arith.addi %mul3A_434, %add3A_506 : vector<16xi32>
      %gather3A_508 = tpu.vector_load_idx %arg18[%add3A_507] : memref<256xf32, #tpu.memory_space<vmem>>[vector<16xi32>], vector<16xf32>,
      %add3A_509 = arith.addf %add3A_504, %gather3A_508 : vector<16xf32>
      %add3A_510 = arith.constant 384 : i32
      %add3A_511 = arith.addi %add3A_510, %mul3A_425 : i32
      %swap3A = arith.index_cast %add3A_511 : i32 to index
      %swap3A_512 = tpu.vector_load %arg16[%swap3A] {strides = array<i32>} : memref<512xf32, #tpu.memory_space<vmem>>, vector<16xf32>,
      tpu.vector_store %arg16[%swap3A], %add3A_509 {strides = array<i32>} : memref<512xf32, #tpu.memory_space<vmem>>, vector<16xf32>,
    }
    %scan3A_336 = arith.constant 8 : i32
    %dma_wait3A_337 = arith.constant 0 : i32
    %dma_wait3A_338 = arith.constant 0 : i32
    %dma_wait3A_339 = tpu.memref_slice %arg14[%dma_wait3A_338] : memref<512xf32, #tpu.memory_space<vmem>> -> memref<128xf32, #tpu.memory_space<vmem>>
    %dma_wait3A_340 = arith.constant 0 : i32
    %dma_wait3A_341 = tpu.memref_slice %arg10[%dma_wait3A_340] : memref<512xi32, #tpu.memory_space<vmem>> -> memref<128xi32, #tpu.memory_space<vmem>>
    %dma_wait3A_342 = arith.constant 0 : i32
    %dma_wait3A_343 = tpu.memref_slice %arg6[%dma_wait3A_337, %dma_wait3A_342] : memref<1x100000xf32, #tpu.memory_space<hbm>> -> memref<1x100000xf32, #tpu.memory_space<hbm>>
    %dma_wait3A_344 = tpu.memref_squeeze %dma_wait3A_343 : memref<1x100000xf32, #tpu.memory_space<hbm>> -> memref<100000xf32, #tpu.memory_space<hbm>>
    %dma_wait3A_345 = arith.constant 0 : i32
    %dma_wait3A_346 = tpu.memref_slice %dma_wait3A_344[%dma_wait3A_345] : memref<100000xf32, #tpu.memory_space<hbm>> -> memref<100000xf32, #tpu.memory_space<hbm>>
    tpu.wait_indirect_dma semaphore(%arg21 : memref<!tpu.dma_semaphore, #tpu.memory_space<semaphore_mem>>) src(%dma_wait3A_346 : memref<100000xf32, #tpu.memory_space<hbm>>) dst(%dma_wait3A_339 : memref<128xf32, #tpu.memory_space<vmem>>)
    %dma_wait3A_347 = arith.constant 0 : i32
    %dma_wait3A_348 = arith.constant 0 : i32
    %dma_wait3A_349 = tpu.memref_slice %arg15[%dma_wait3A_348] : memref<512xf32, #tpu.memory_space<vmem>> -> memref<128xf32, #tpu.memory_space<vmem>>
    %dma_wait3A_350 = arith.constant 0 : i32
    %dma_wait3A_351 = tpu.memref_slice %arg11[%dma_wait3A_350] : memref<512xi32, #tpu.memory_space<vmem>> -> memref<128xi32, #tpu.memory_space<vmem>>
    %dma_wait3A_352 = arith.constant 0 : i32
    %dma_wait3A_353 = tpu.memref_slice %arg7[%dma_wait3A_347, %dma_wait3A_352] : memref<1x100000xf32, #tpu.memory_space<hbm>> -> memref<1x100000xf32, #tpu.memory_space<hbm>>
    %dma_wait3A_354 = tpu.memref_squeeze %dma_wait3A_353 : memref<1x100000xf32, #tpu.memory_space<hbm>> -> memref<100000xf32, #tpu.memory_space<hbm>>
    %dma_wait3A_355 = arith.constant 0 : i32
    %dma_wait3A_356 = tpu.memref_slice %dma_wait3A_354[%dma_wait3A_355] : memref<100000xf32, #tpu.memory_space<hbm>> -> memref<100000xf32, #tpu.memory_space<hbm>>
    tpu.wait_indirect_dma semaphore(%arg21 : memref<!tpu.dma_semaphore, #tpu.memory_space<semaphore_mem>>) src(%dma_wait3A_356 : memref<100000xf32, #tpu.memory_space<hbm>>) dst(%dma_wait3A_349 : memref<128xf32, #tpu.memory_space<vmem>>)
    %dma_wait3A_357 = arith.constant 0 : i32
    %dma_wait3A_358 = arith.constant 128 : i32
    %dma_wait3A_359 = tpu.memref_slice %arg14[%dma_wait3A_358] : memref<512xf32, #tpu.memory_space<vmem>> -> memref<128xf32, #tpu.memory_space<vmem>>
    %dma_wait3A_360 = arith.constant 128 : i32
    %dma_wait3A_361 = tpu.memref_slice %arg10[%dma_wait3A_360] : memref<512xi32, #tpu.memory_space<vmem>> -> memref<128xi32, #tpu.memory_space<vmem>>
    %dma_wait3A_362 = arith.constant 0 : i32
    %dma_wait3A_363 = tpu.memref_slice %arg6[%dma_wait3A_357, %dma_wait3A_362] : memref<1x100000xf32, #tpu.memory_space<hbm>> -> memref<1x100000xf32, #tpu.memory_space<hbm>>
    %dma_wait3A_364 = tpu.memref_squeeze %dma_wait3A_363 : memref<1x100000xf32, #tpu.memory_space<hbm>> -> memref<100000xf32, #tpu.memory_space<hbm>>
    %dma_wait3A_365 = arith.constant 0 : i32
    %dma_wait3A_366 = tpu.memref_slice %dma_wait3A_364[%dma_wait3A_365] : memref<100000xf32, #tpu.memory_space<hbm>> -> memref<100000xf32, #tpu.memory_space<hbm>>
    tpu.wait_indirect_dma semaphore(%arg21 : memref<!tpu.dma_semaphore, #tpu.memory_space<semaphore_mem>>) src(%dma_wait3A_366 : memref<100000xf32, #tpu.memory_space<hbm>>) dst(%dma_wait3A_359 : memref<128xf32, #tpu.memory_space<vmem>>)
    %dma_wait3A_367 = arith.constant 0 : i32
    %dma_wait3A_368 = arith.constant 128 : i32
    %dma_wait3A_369 = tpu.memref_slice %arg15[%dma_wait3A_368] : memref<512xf32, #tpu.memory_space<vmem>> -> memref<128xf32, #tpu.memory_space<vmem>>
    %dma_wait3A_370 = arith.constant 128 : i32
    %dma_wait3A_371 = tpu.memref_slice %arg11[%dma_wait3A_370] : memref<512xi32, #tpu.memory_space<vmem>> -> memref<128xi32, #tpu.memory_space<vmem>>
    %dma_wait3A_372 = arith.constant 0 : i32
    %dma_wait3A_373 = tpu.memref_slice %arg7[%dma_wait3A_367, %dma_wait3A_372] : memref<1x100000xf32, #tpu.memory_space<hbm>> -> memref<1x100000xf32, #tpu.memory_space<hbm>>
    %dma_wait3A_374 = tpu.memref_squeeze %dma_wait3A_373 : memref<1x100000xf32, #tpu.memory_space<hbm>> -> memref<100000xf32, #tpu.memory_space<hbm>>
    %dma_wait3A_375 = arith.constant 0 : i32
    %dma_wait3A_376 = tpu.memref_slice %dma_wait3A_374[%dma_wait3A_375] : memref<100000xf32, #tpu.memory_space<hbm>> -> memref<100000xf32, #tpu.memory_space<hbm>>
    tpu.wait_indirect_dma semaphore(%arg21 : memref<!tpu.dma_semaphore, #tpu.memory_space<semaphore_mem>>) src(%dma_wait3A_376 : memref<100000xf32, #tpu.memory_space<hbm>>) dst(%dma_wait3A_369 : memref<128xf32, #tpu.memory_space<vmem>>)
    %dma_wait3A_377 = arith.constant 0 : i32
    %dma_wait3A_378 = arith.constant 256 : i32
    %dma_wait3A_379 = tpu.memref_slice %arg14[%dma_wait3A_378] : memref<512xf32, #tpu.memory_space<vmem>> -> memref<128xf32, #tpu.memory_space<vmem>>
    %dma_wait3A_380 = arith.constant 256 : i32
    %dma_wait3A_381 = tpu.memref_slice %arg10[%dma_wait3A_380] : memref<512xi32, #tpu.memory_space<vmem>> -> memref<128xi32, #tpu.memory_space<vmem>>
    %dma_wait3A_382 = arith.constant 0 : i32
    %dma_wait3A_383 = tpu.memref_slice %arg6[%dma_wait3A_377, %dma_wait3A_382] : memref<1x100000xf32, #tpu.memory_space<hbm>> -> memref<1x100000xf32, #tpu.memory_space<hbm>>
    %dma_wait3A_384 = tpu.memref_squeeze %dma_wait3A_383 : memref<1x100000xf32, #tpu.memory_space<hbm>> -> memref<100000xf32, #tpu.memory_space<hbm>>
    %dma_wait3A_385 = arith.constant 0 : i32
    %dma_wait3A_386 = tpu.memref_slice %dma_wait3A_384[%dma_wait3A_385] : memref<100000xf32, #tpu.memory_space<hbm>> -> memref<100000xf32, #tpu.memory_space<hbm>>
    tpu.wait_indirect_dma semaphore(%arg21 : memref<!tpu.dma_semaphore, #tpu.memory_space<semaphore_mem>>) src(%dma_wait3A_386 : memref<100000xf32, #tpu.memory_space<hbm>>) dst(%dma_wait3A_379 : memref<128xf32, #tpu.memory_space<vmem>>)
    %dma_wait3A_387 = arith.constant 0 : i32
    %dma_wait3A_388 = arith.constant 256 : i32
    %dma_wait3A_389 = tpu.memref_slice %arg15[%dma_wait3A_388] : memref<512xf32, #tpu.memory_space<vmem>> -> memref<128xf32, #tpu.memory_space<vmem>>
    %dma_wait3A_390 = arith.constant 256 : i32
    %dma_wait3A_391 = tpu.memref_slice %arg11[%dma_wait3A_390] : memref<512xi32, #tpu.memory_space<vmem>> -> memref<128xi32, #tpu.memory_space<vmem>>
    %dma_wait3A_392 = arith.constant 0 : i32
    %dma_wait3A_393 = tpu.memref_slice %arg7[%dma_wait3A_387, %dma_wait3A_392] : memref<1x100000xf32, #tpu.memory_space<hbm>> -> memref<1x100000xf32, #tpu.memory_space<hbm>>
    %dma_wait3A_394 = tpu.memref_squeeze %dma_wait3A_393 : memref<1x100000xf32, #tpu.memory_space<hbm>> -> memref<100000xf32, #tpu.memory_space<hbm>>
    %dma_wait3A_395 = arith.constant 0 : i32
    %dma_wait3A_396 = tpu.memref_slice %dma_wait3A_394[%dma_wait3A_395] : memref<100000xf32, #tpu.memory_space<hbm>> -> memref<100000xf32, #tpu.memory_space<hbm>>
    tpu.wait_indirect_dma semaphore(%arg21 : memref<!tpu.dma_semaphore, #tpu.memory_space<semaphore_mem>>) src(%dma_wait3A_396 : memref<100000xf32, #tpu.memory_space<hbm>>) dst(%dma_wait3A_389 : memref<128xf32, #tpu.memory_space<vmem>>)
    %dma_wait3A_397 = arith.constant 0 : i32
    %dma_wait3A_398 = arith.constant 384 : i32
    %dma_wait3A_399 = tpu.memref_slice %arg14[%dma_wait3A_398] : memref<512xf32, #tpu.memory_space<vmem>> -> memref<128xf32, #tpu.memory_space<vmem>>
    %dma_wait3A_400 = arith.constant 384 : i32
    %dma_wait3A_401 = tpu.memref_slice %arg10[%dma_wait3A_400] : memref<512xi32, #tpu.memory_space<vmem>> -> memref<128xi32, #tpu.memory_space<vmem>>
    %dma_wait3A_402 = arith.constant 0 : i32
    %dma_wait3A_403 = tpu.memref_slice %arg6[%dma_wait3A_397, %dma_wait3A_402] : memref<1x100000xf32, #tpu.memory_space<hbm>> -> memref<1x100000xf32, #tpu.memory_space<hbm>>
    %dma_wait3A_404 = tpu.memref_squeeze %dma_wait3A_403 : memref<1x100000xf32, #tpu.memory_space<hbm>> -> memref<100000xf32, #tpu.memory_space<hbm>>
    %dma_wait3A_405 = arith.constant 0 : i32
    %dma_wait3A_406 = tpu.memref_slice %dma_wait3A_404[%dma_wait3A_405] : memref<100000xf32, #tpu.memory_space<hbm>> -> memref<100000xf32, #tpu.memory_space<hbm>>
    tpu.wait_indirect_dma semaphore(%arg21 : memref<!tpu.dma_semaphore, #tpu.memory_space<semaphore_mem>>) src(%dma_wait3A_406 : memref<100000xf32, #tpu.memory_space<hbm>>) dst(%dma_wait3A_399 : memref<128xf32, #tpu.memory_space<vmem>>)
    %dma_wait3A_407 = arith.constant 0 : i32
    %dma_wait3A_408 = arith.constant 384 : i32
    %dma_wait3A_409 = tpu.memref_slice %arg15[%dma_wait3A_408] : memref<512xf32, #tpu.memory_space<vmem>> -> memref<128xf32, #tpu.memory_space<vmem>>
    %dma_wait3A_410 = arith.constant 384 : i32
    %dma_wait3A_411 = tpu.memref_slice %arg11[%dma_wait3A_410] : memref<512xi32, #tpu.memory_space<vmem>> -> memref<128xi32, #tpu.memory_space<vmem>>
    %dma_wait3A_412 = arith.constant 0 : i32
    %dma_wait3A_413 = tpu.memref_slice %arg7[%dma_wait3A_407, %dma_wait3A_412] : memref<1x100000xf32, #tpu.memory_space<hbm>> -> memref<1x100000xf32, #tpu.memory_space<hbm>>
    %dma_wait3A_414 = tpu.memref_squeeze %dma_wait3A_413 : memref<1x100000xf32, #tpu.memory_space<hbm>> -> memref<100000xf32, #tpu.memory_space<hbm>>
    %dma_wait3A_415 = arith.constant 0 : i32
    %dma_wait3A_416 = tpu.memref_slice %dma_wait3A_414[%dma_wait3A_415] : memref<100000xf32, #tpu.memory_space<hbm>> -> memref<100000xf32, #tpu.memory_space<hbm>>
    tpu.wait_indirect_dma semaphore(%arg21 : memref<!tpu.dma_semaphore, #tpu.memory_space<semaphore_mem>>) src(%dma_wait3A_416 : memref<100000xf32, #tpu.memory_space<hbm>>) dst(%dma_wait3A_409 : memref<128xf32, #tpu.memory_space<vmem>>)
    %scan3A_417 = arith.constant 0 : i32
    %scan3A_418 = arith.constant 0 : i32
    %scan3A_419 = arith.constant 32 : i32
    %scan3A_420 = arith.addi %scan3A_418, %scan3A_419 : i32
    %scan3A_421 = arith.constant 1 : i32
    scf.for %scan3A_423 = %scan3A_418 to %scan3A_420 step %scan3A_421  : i32 {
      %mul3A_424 = arith.constant 16 : i32
      %mul3A_425 = arith.muli %scan3A_423, %mul3A_424 : i32
      %get3A_426 = arith.index_cast %mul3A_425 : i32 to index
      %get3A_427 = tpu.vector_load %arg16[%get3A_426] {strides = array<i32>} : memref<512xf32, #tpu.memory_space<vmem>>, vector<16xf32>,
      %get3A_428 = arith.index_cast %mul3A_425 : i32 to index
      %get3A_429 = tpu.vector_load %arg14[%get3A_428] {strides = array<i32>} : memref<512xf32, #tpu.memory_space<vmem>>, vector<16xf32>,
      %add3A_430 = arith.addf %get3A_427, %get3A_429 : vector<16xf32>
      %get3A_431 = arith.index_cast %mul3A_425 : i32 to index
      %get3A_432 = tpu.vector_load %arg15[%get3A_431] {strides = array<i32>} : memref<512xf32, #tpu.memory_space<vmem>>, vector<16xf32>,
      %add3A_433 = arith.addf %add3A_430, %get3A_432 : vector<16xf32>
      %add3A_434 = vector.broadcast %squeeze3A : f32 to vector<16xf32>
      %add3A_435 = arith.addf %add3A_433, %add3A_434 : vector<16xf32>
      %swap3A = arith.index_cast %mul3A_425 : i32 to index
      %swap3A_436 = tpu.vector_load %arg16[%swap3A] {strides = array<i32>} : memref<512xf32, #tpu.memory_space<vmem>>, vector<16xf32>,
      tpu.vector_store %arg16[%swap3A], %add3A_435 {strides = array<i32>} : memref<512xf32, #tpu.memory_space<vmem>>, vector<16xf32>,
    }
    %scan3A_422 = arith.constant 32 : i32
    "tpu.region"() ({
      %run_scoped3A = tpu.sem_alloc : memref<!tpu.dma_semaphore, #tpu.memory_space<semaphore_mem>>
      %dma_start3A_423 = tpu.memref_slice %arg9[%mul3A_2] : memref<16384xf32, #tpu.memory_space<hbm>> -> memref<512xf32, #tpu.memory_space<hbm>>
      %dma_start3A_424 = tpu.memref_slice %arg9[%mul3A_2] : memref<16384xf32, #tpu.memory_space<hbm>> -> memref<512xf32, #tpu.memory_space<hbm>>
      tpu.enqueue_dma source(%arg16 : memref<512xf32, #tpu.memory_space<vmem>>) target(%dma_start3A_424 : memref<512xf32, #tpu.memory_space<hbm>>) target_semaphore(%run_scoped3A : memref<!tpu.dma_semaphore, #tpu.memory_space<semaphore_mem>>)
      %dma_wait3A_425 = tpu.memref_slice %arg9[%mul3A_2] : memref<16384xf32, #tpu.memory_space<hbm>> -> memref<512xf32, #tpu.memory_space<hbm>>
      %dma_wait3A_426 = tpu.memref_slice %arg9[%mul3A_2] : memref<16384xf32, #tpu.memory_space<hbm>> -> memref<512xf32, #tpu.memory_space<hbm>>
      tpu.wait_dma2 semaphore(%run_scoped3A : memref<!tpu.dma_semaphore, #tpu.memory_space<semaphore_mem>>) src(%arg16 : memref<512xf32, #tpu.memory_space<vmem>>) dst(%dma_wait3A_426 : memref<512xf32, #tpu.memory_space<hbm>>)
      tpu.yield
    }) : () -> ()
    return
  }
}

</mosaic_0001>

<sc_bundles>
// kernel: kernel.3.cloned.1.call-start
scs
__scs_entry_jumppad:
0x0: {  	(pc) =	sbr.rel $0x88, $3  }
0x1: {  	(tag) =	ssettag $0x0;
	lr =	simm.s32 $0x1  }
0x2: {  	[smem:$0x3F9A] =	sst lr;
	_ =	strace $0xD0000000  }
0x3: {  	_ = 	snop  }
0x4: {  	_ = 	snop  }
0x5: {  	_ = 	snop  }
0x6: {  	_ = 	snop  }
0x7: {  	_ = 	snop  }
__scs_overlays_trampoline_lowered:
0x8: {  	[smem:$0x3FA9] =	sst s0  }
0x9: {  	[smem:$0x3FAA] =	sst s1  }
0xa: {  	[smem:$0x3FAB] =	sst s2  }
0xb: {  	[smem:$0x3FAC] =	sst s3  }
0xc: {  	[smem:$0x3FAD] =	sst s4  }
0xd: {  	[smem:$0x3FAE] =	sst s5  }
0xe: {  	[smem:$0x3FAF] =	sst s6  }
0xf: {  	[smem:$0x3FB0] =	sst s7  }
0x10: {  	[smem:$0x3FB1] =	sst s8  }
0x11: {  	[smem:$0x3FB2] =	sst s9;
	s0 =	simm.s32 @!p0 $0x0  }
0x12: {  	s1 =	sld [smem:$0x3F98];
	s0 =	simm.s32 @p0 $0x1  }
0x13: {  	[smem:$0x3FB3] =	sst s0;
	s0 =	simm.s32 @!p1 $0x0  }
0x14: {  	s2 =	sld [smem:$0x3F97];
	s0 =	simm.s32 @p1 $0x1  }
0x15: {  	[smem:$0x3FB4] =	sst s0;
	s0 =	simm.s32 @!p2 $0x0  }
0x16: {  	s3 =	sld [smem:$0x3FDB];
	s0 =	simm.s32 @p2 $0x1  }
0x17: {  	s4 =	simm.s32 $0x1BF5;
	[smem:$0x3FB6] =	sst s0  }
0x18: {  	s0 =	sld [smem:$0x3F99];
	_ =	swait.ge [sflag:s4], $0x0  }
0x19: {  	s7 =	sld [smem:$0x3F9A]  }
0x1a: {  	s8 =	sadd.s32 $0xFFFFE003, lr  }
0x1b: {  	s9 =	sadd.s32 $0xFFFFFEF7, lr;
	s5 =	simm.s32 $0xFFFFFFFF;
	p2 =	slt.u32 s8, $0xFFFFF086  }
0x1c: {  	p1 =	slt.u32 s9, $0xF7A;
	s5 =	simm.s32 @!p2 $0x0  }
0x1d: {  	s5 =	simm.s32 @p1 $0x1;
	p0 =	seq.s32 s7, s2  }
0x1e: {  	s7 =	smul.u32 @!p0 $0xF7A, s2;
	p2 =	seq.s32 @!p0 s5, $0x0  }
0x1f: {  	s9 =	smul.u32 $0xF7A, s1;
	s8 =	simm.s32 @!p0 $0x1BF5;
	p2 =	por !p2, p0  }
0x20: {  	[sflag:s8] =	ssyncset.s32 @!p0 $0xFFFFF086;
	s6 =	sadd.s32 @!p0 s3, s7;
	s7 =	simm.s32 @!p0 $0x108  }
0x21: {  	s3 =	sadd.s32 s3, s9;
	s6 =	sadd.s32 @!p0 $0x88, s6;
	s7 =	simm.s32 @p2 $0x1082  }
0x22: {  	[simem:s7], [sflag:s8] =	dma.local @!p0 [hbm:s6], $0xF7A  }
0x23: {  	s9 =	sor.u32 $0xD0000000, s2;
	s6 =	simm.s32 $0x108;
	_ =	swait.ge @!p0 [sflag:s8], $0x0  }
0x24: {  	s3 =	sadd.s32 $0x88, s3;
	s6 =	simm.s32 @!p1 $0x1082;
	[sflag:s4] =	ssyncset.s32 $0xFFFFF086  }
0x25: {  	[simem:s6], [sflag:s4] =	dma.local [hbm:s3], $0xF7A  }
0x26: {  	[smem:$0x3F9A] =	sst s1;
	(tag) =	ssettag s2;
	_ =	strace s9  }
0x27: {  	s1 =	sld [smem:$0x3FAA]  }
0x28: {  	s2 =	sld [smem:$0x3FAB]  }
0x29: {  	s4 =	sld [smem:$0x3FAD]  }
0x2a: {  	p0 =	seq.s32 s5, $0x0;
	s5 =	sld [smem:$0x3FAE]  }
0x2b: {  	s6 =	sld [smem:$0x3FAF]  }
0x2c: {  	s7 =	sld [smem:$0x3FB0]  }
0x2d: {  	s3 =	simm.s32 $0x108;
	s8 =	sld [smem:$0x3FB1]  }
0x2e: {  	s3 =	simm.s32 @!p0 $0x1082;
	s9 =	sld [smem:$0x3FB2]  }
0x2f: {  	lr =	sadd.s32 s0, s3;
	s0 =	sld [smem:$0x3FA9]  }
0x30: {  	s3 =	sld [smem:$0x3FAC]  }
0x31: {  	[smem:$0x3FB5] =	sst s10  }
0x32: {  	s10 =	sld [smem:$0x3FB3];
	_ =	sdelay $0x3  }
0x33: {  	p0 =	seq.s32 s10, $0x1;
	s10 =	sld [smem:$0x3FB5];
	_ =	sdelay $0x3  }
0x34: {  	[smem:$0x3FB5] =	sst s10  }
0x35: {  	s10 =	sld [smem:$0x3FB4];
	_ =	sdelay $0x3  }
0x36: {  	p1 =	seq.s32 s10, $0x1;
	s10 =	sld [smem:$0x3FB5];
	_ =	sdelay $0x3  }
0x37: {  	[smem:$0x3FB5] =	sst s10  }
0x38: {  	s10 =	sld [smem:$0x3FB6]  }
0x39: {  	_ = 	snop;
	(pc) =	sbr.ind lr, $3  }
0x3a: {  	_ = 	snop  }
0x3b: {  	_ = 	snop  }
0x3c: {  	p2 =	seq.s32 s10, $0x1;
	s10 =	sld [smem:$0x3FB5]  }
0x3d: {  	_ =	shalt  }
0x3e: {  	_ =	shalt  }
0x3f: {  	_ =	shalt  }
0x40: {  	_ =	shalt  }
0x41: {  	_ =	shalt  }
0x42: {  	_ =	shalt  }
0x43: {  	_ =	shalt  }
0x44: {  	_ =	shalt  }
0x45: {  	_ =	shalt  }
0x46: {  	_ =	shalt  }
0x47: {  	_ =	shalt  }
0x48: {  	_ =	shalt  }
0x49: {  	_ =	shalt  }
0x4a: {  	_ =	shalt  }
0x4b: {  	_ =	shalt  }
0x4c: {  	_ =	shalt  }
0x4d: {  	_ =	shalt  }
0x4e: {  	_ =	shalt  }
0x4f: {  	_ =	shalt  }
0x50: {  	_ =	shalt  }
0x51: {  	_ =	shalt  }
0x52: {  	_ =	shalt  }
0x53: {  	_ =	shalt  }
0x54: {  	_ =	shalt  }
0x55: {  	_ =	shalt  }
0x56: {  	_ =	shalt  }
0x57: {  	_ =	shalt  }
0x58: {  	_ =	shalt  }
0x59: {  	_ =	shalt  }
0x5a: {  	_ =	shalt  }
0x5b: {  	_ =	shalt  }
0x5c: {  	_ =	shalt  }
0x5d: {  	_ =	shalt  }
0x5e: {  	_ =	shalt  }
0x5f: {  	_ =	shalt  }
0x60: {  	_ =	shalt  }
0x61: {  	_ =	shalt  }
0x62: {  	_ =	shalt  }
0x63: {  	_ =	shalt  }
0x64: {  	_ =	shalt  }
0x65: {  	_ =	shalt  }
0x66: {  	_ =	shalt  }
0x67: {  	_ =	shalt  }
0x68: {  	_ =	shalt  }
0x69: {  	_ =	shalt  }
0x6a: {  	_ =	shalt  }
0x6b: {  	_ =	shalt  }
0x6c: {  	_ =	shalt  }
0x6d: {  	_ =	shalt  }
0x6e: {  	_ =	shalt  }
0x6f: {  	_ =	shalt  }
0x70: {  	_ =	shalt  }
0x71: {  	_ =	shalt  }
0x72: {  	_ =	shalt  }
0x73: {  	_ =	shalt  }
0x74: {  	_ =	shalt  }
0x75: {  	_ =	shalt  }
0x76: {  	_ =	shalt  }
0x77: {  	_ =	shalt  }
0x78: {  	_ =	shalt  }
0x79: {  	_ =	shalt  }
0x7a: {  	_ =	shalt  }
0x7b: {  	_ =	shalt  }
0x7c: {  	_ =	shalt  }
0x7d: {  	_ =	shalt  }
0x7e: {  	_ =	shalt  }
0x7f: {  	_ =	shalt  }
0x80: {  	_ =	shalt  }
0x81: {  	_ =	shalt  }
0x82: {  	_ =	shalt  }
0x83: {  	_ =	shalt  }
0x84: {  	_ =	shalt  }
0x85: {  	_ =	shalt  }
0x86: {  	_ =	shalt  }
0x87: {  	_ =	shalt  }
.Lfunc_end0:
.L_simem_size_0:
called_computation_lowered:
.L_overlay_start_0:
0x88: {  	s2 =	sld [smem:$0x3FD9]  }
0x89: {  	s3 =	sld [smem:$0x3FFE];
	_ =	sdelay $0x1  }
0x8a: {  	s1 =	srdreg.scid  }
0x8b: {  	s0 =	sand.u32 $0x1, s1  }
0x8c: {  	s18 =	sshll.u32 s0, $0xA;
	s2 =	sadd.s32 s3, s2  }
0x8d: {  	s2 =	sadd.s32 s2, s18  }
0x8e: {  	[smem:$0x3FC1] =	sst s2  }
0x8f: {  	_ = 	snop  }
0x90: {  	s2 =	sld [smem:$0x3FC9]  }
0x91: {  	s19 =	sld [smem:$0x3FC8]  }
0x92: {  	s4 =	sld [smem:$0x3FC7]  }
0x93: {  	s5 =	sld [smem:$0x3FC6]  }
0x94: {  	s6 =	sld [smem:$0x3FC5]  }
0x95: {  	s7 =	sld [smem:$0x3FC4]  }
0x96: {  	s8 =	sld [smem:$0x3FC3]  }
0x97: {  	s9 =	sld [smem:$0x3FD0];
	(tm) =	ssettm $0x1  }
0x98: {  	s10 =	sld [smem:$0x3FFB];
	_ =	sdelay $0x3  }
0x99: {  	_ =	strace s10  }
0x9a: {  	s10 =	sld [smem:$0x3FFC];
	_ =	sdelay $0x3  }
0x9b: {  	_ =	strace s10  }
0x9c: {  	s10 =	sld [smem:$0x3FFD];
	_ =	sdelay $0x3  }
0x9d: {  	_ =	strace s10  }
0x9e: {  	_ =	strace $0x8FFFFFFF  }
0x9f: {  	s20 =	sld [smem:$0x3FDB];
	_ =	sdelay $0x1  }
0xa0: {  	s11 =	simm.s32 $_scs_section_size  }
0xa1: {  	s12 =	simm.s32 $_size__tile_overlayer_lowered;
	s13 =	simm.s32 $_tile_overlayer_lowered  }
0xa2: {  	s23 =	simm.s32 $0x1BFF;
	s22 =	sshll.u32 s13, $0x1;
	s10 =	sadd.s32 s11, s20  }
0xa3: {  	s14 =	simm.s32 $0x0;
	s21 =	sshll.u32 s12, $0x1;
	s12 =	sadd.s32 s22, s10  }
0xa4: {  	[timem:s14], [sflag:s23] =	dma.local [hbm:s12], s21  }
0xa5: {  	_ =	swait.ge [sflag:s23], s21  }
0xa6: {  	s11 =	ssub.s32 $0x0, s21;
	[sflag:s23] =	ssyncset.done $0x0  }
0xa7: {  	[sflag:s23] =	ssyncadd.s32 s11;
	_ =	sdelay $0x1  }
0xa8: {  	s24 =	simm.s32 $0x1B8B  }
0xa9: {  	_ =	swait.ge [sflag:s24], $0x1  }
0xaa: {  	[sflag:s24] =	ssyncset.done $0x0  }
0xab: {  	s25 =	simm.s32 $0x1B8E;
	[sflag:s24] =	ssyncadd.s32 $0xFFFFFFFF  }
0xac: {  	s26 =	simm.s32 $execute0_lowered;
	[smem:$0x3FD2] =	sst s25  }
0xad: {  	s11 =	sshll.u32 s26, $0x1;
	_ =	strace $0x80000046;
	[dreg:$0x1] =	wrdreg $0xFFFFFFFF  }
0xae: {  	s28 =	simm.s32 $_size_execute0_lowered;
	s10 =	sadd.s32 s10, s11;
	[dreg:$0x0] =	wrdreg $0x0  }
0xaf: {  	s11 =	sshll.u32 s28, $0x1;
	[dreg:$0x2] =	wrdreg s10  }
0xb0: {  	[dreg:$0x3] =	wrdreg s11  }
0xb1: {  	[dreg:$0x4] =	wrdreg $0xC0  }
0xb2: {  	_ =	task [dreg:s14], $0x5FFFF  }
0xb3: {  	[dreg:$0x1] =	wrdreg $0xFFFFFFFF  }
0xb4: {  	[dreg:$0x0] =	wrdreg $0x60  }
0xb5: {  	[dreg:$0x2] =	wrdreg s2  }
0xb6: {  	[dreg:$0x3] =	wrdreg s19  }
0xb7: {  	[dreg:$0x4] =	wrdreg s4  }
0xb8: {  	[dreg:$0x5] =	wrdreg s5  }
0xb9: {  	[dreg:$0x6] =	wrdreg s6  }
0xba: {  	[dreg:$0x7] =	wrdreg s7  }
0xbb: {  	[dreg:$0x8] =	wrdreg s8  }
0xbc: {  	[dreg:$0x9] =	wrdreg s9  }
0xbd: {  	[dreg:$0xa] =	wrdreg $0x9  }
0xbe: {  	_ =	task.clear_ibuf [dreg:s14], $0xBFFFF;
	_ =	strace $0x90000046  }
0xbf: {  	s29 =	simm.s32 $0x9;
	_ =	strace $0x80000048  }
0xc0: {  	_ =	swait.ge [sflag:s29], $0x1  }
0xc1: {  	[sflag:s29] =	ssyncadd.s32 $0xFFFFFFFF  }
0xc2: {  	_ =	strace $0x90000048  }
0xc3: {  	_ =	sfence  }
0xc4: {  	s30 =	sld [smem:$0x0];
	_ =	sdelay $0x2  }
0xc5: {  	s31 =	sshll.u32 s1, $0xD;
	s1 =	sshrl.u32 s1, $0x2  }
0xc6: {  	s3 =	sand.u32 $0x4000, s31;
	s1 =	sadd.s32 s1, s30  }
0xc7: {  	s0 =	sor.u32 s3, s0;
	s1 =	sshll.u32 s1, $0x11  }
0xc8: {  	s0 =	sor.u32 s1, s0  }
0xc9: {  	s0 =	sadd.s32 $0x8F2B, s0  }
0xca: {  	[sflag:s0] =	ssyncadd.remote.s32 $0x1  }
0xcb: {  	_ =	sfence.sel $0xFFFF  }
0xcc: {  	[dreg:$0x0] =	wrdreg $0xFFFFFFFF;
	(pc) =	sbr.abs _section_cstart, $3  }
0xcd: {  	[dreg:$0x1] =	wrdreg $0xFFFFFFFF  }
0xce: {  	_ =	task.clear_ibuf [dreg:s14], $0x2FFFF;
	_ =	strace $0x9FFFFFFF  }
0xcf: {  	(tm) =	ssettm $0x7FFFFFFF  }
tec
execute0_lowered:
.L_overlay_start_1:
0x0: {  	(tag) =	ssettag $0x1  }
0x1: {  	s0 =	rddreg [dreg:$0x0]  }
0x2: {  	s5 =	rddreg [dreg:$0x1]  }
0x3: {  	s1 =	rddreg [dreg:$0x2]  }
0x4: {  	s2 =	rddreg [dreg:$0x3]  }
0x5: {  	s3 =	rddreg [dreg:$0x4]  }
0x6: {  	s4 =	rddreg [dreg:$0x5]  }
0x7: {  	s6 =	rddreg [dreg:$0x7];
	s8 =	srdreg.scid  }
0x8: {  	s7 =	simm.s32 $0x0;
	s10 =	stileid.u32;
	s13 =	simm.s32 $0x200  }
0x9: {  	s14 =	simm.s32 $0x1;
	s15 =	simm.s32 $0x2;
	s16 =	simm.s32 $0x3  }
0xa: {  	s17 =	simm.s32 $0x80;
	v0 =	vlaneseq.u32;
	s20 =	simm.s32 $0x4400;
	s21 =	simm.s32 $0x280  }
0xb: {  	s22 =	simm.s32 $0xC400;
	s25 =	simm.s32 $0x10A80;
	s29 =	simm.s32 $0x100;
	v0 =	vmul.u32 $0x10, v0  }
0xc: {  	s30 =	simm.s32 $0x300;
	s23 =	simm.s32 $0x4;
	s8 =	sand.u32 $0x1, s8  }
0xd: {  	s24 =	simm.s32 $0x0;
	s10 =	sshll.u32 s10, $0x7;
	s9 =	ssub.s32 $0x2, s8;
	v1 =	vor.u32 $0x1, v0;
	v2 =	vor.u32 $0x2, v0;
	v3 =	vor.u32 $0x3, v0  }
0xe: {  	[smem:$0x7FF] =	sst s7;
	s8 =	sshll.u32 s8, $0x6;
	s11 =	sshrl.u32 s9, $0x1;
	v4 =	vor.u32 $0x4, v0;
	v5 =	vor.u32 $0x5, v0;
	v6 =	vor.u32 $0x6, v0  }
0xf: {  	_ =	strace $0x80000047;
	s10 =	sor.u32 s8, s10;
	v7 =	vor.u32 $0x7, v0;
	v8 =	vor.u32 $0x8, v0;
	v9 =	vor.u32 $0x9, v0;
	s11 =	ssub.s32 s9, s11  }
0x10: {  	v10 =	vor.u32 $0xA, v0;
	v11 =	vor.u32 $0xB, v0;
	v12 =	vor.u32 $0xC, v0;
	s8 =	sadd.s32 s0, s10;
	s9 =	sadd.s32 s5, s10;
	s10 =	sadd.s32 s6, s10  }
0x11: {  	v13 =	vor.u32 $0xD, v0;
	v14 =	vor.u32 $0xE, v0;
	v15 =	vor.u32 $0xF, v0;
	s6 =	simm.s32 $0x180;
	s5 =	simm.s32 $0x380;
	s11 =	smax.u32 s11, $0x1  }
.LBB2_1:
0x12: {  	s0 =	rddreg [dreg:$0x6];
	s12 =	simm.s32 $0x10A00  }
0x13: {  	[tilespmem:s12], [sflag:$0x3] =	stream.linear.gather [hbm4b:s0+s7], $0x1, $0x38;
	[tilespmem:$0x10B80] =	vst v63  }
0x14: {  	_ = 	snop  }
0x15: {  	[tilespmem:s7], [sflag:$0x1] =	stream.linear.gather [hbm4b:s8+s7], $0x200, $0x38;
	[tilespmem:$0x10B80] =	vst v63  }
0x16: {  	_ = 	snop  }
0x17: {  	[tilespmem:s13], [sflag:$0x2] =	stream.linear.gather [hbm4b:s9+s7], $0x200, $0x38;
	[tilespmem:$0x10B80] =	vst v63  }
0x18: {  	_ =	swait.ge [sflag:s14], $0x200  }
0x19: {  	[sflag:s14] =	ssyncset.done $0x0  }
0x1a: {  	[sflag:s14] =	ssyncadd.s32 $0xFFFFFE00  }
0x1b: {  	_ =	swait.ge [sflag:s15], $0x200  }
0x1c: {  	[sflag:s15] =	ssyncset.done $0x0  }
0x1d: {  	[sflag:s15] =	ssyncadd.s32 $0xFFFFFE00  }
0x1e: {  	_ =	swait.ge [sflag:s16], $0x1  }
0x1f: {  	[sflag:s16] =	ssyncset.done $0x0  }
0x20: {  	s12 =	simm.s32 $0x400;
	[sflag:s16] =	ssyncadd.s32 $0xFFFFFFFF  }
0x21: {  	v16 =	vld [tilespmem:$0x10A00];
	[tilespmem:s12], [sflag:$0x1] =	stream.indirect.gather [hbm4b:s1+s17], $0x80, s7, s17, $0xb8  }
0x22: {  	s18 =	simm.s32 $0x8400  }
0x23: {  	[tilespmem:s18], [sflag:$0x1] =	stream.indirect.gather [hbm4b:s2+s17], $0x80, s13, s17, $0xb8;
	[tilespmem:$0x10B80] =	vst v63  }
0x24: {  	_ = 	snop  }
0x25: {  	[tilespmem:s20], [sflag:$0x2] =	stream.indirect.gather [hbm4b:s1+s17], $0x80, s17, s17, $0xb8;
	[tilespmem:$0x10B80] =	vst v63  }
0x26: {  	_ = 	snop  }
0x27: {  	[tilespmem:s22], [sflag:$0x2] =	stream.indirect.gather [hbm4b:s2+s17], $0x80, s21, s17, $0xb8;
	[tilespmem:$0x10B80] =	vst v63  }
0x28: {  	s19 =	simm.s32 $0x10400  }
0x29: {  	[tilespmem:s19], [sflag:$0x3] =	stream.indirect.gather [hbm4b:s3+s17], $0x1, s7, s17, $0xb8;
	[tilespmem:$0x10B80] =	vst v63  }
0x2a: {  	s26 =	simm.s32 $0x10600  }
0x2b: {  	[tilespmem:s26], [sflag:$0x3] =	stream.indirect.gather [hbm4b:s4+s17], $0x1, s13, s17, $0xb8;
	[tilespmem:$0x10B80] =	vst v63  }
0x2c: {  	_ =	swait.ge [sflag:s14], $0x4000  }
0x2d: {  	[sflag:s14] =	ssyncset.done $0x0  }
0x2e: {  	[sflag:s14] =	ssyncadd.s32 $0xFFFFC000  }
0x2f: {  	_ =	swait.ge [sflag:s14], $0x4000  }
0x30: {  	s28 =	simm.s32 $0x8470;
	[sflag:s14] =	ssyncset.done $0x0  }
0x31: {  	s31 =	simm.s32 $0x0;
	s26 =	simm.s32 $0x440;
	[sflag:s14] =	ssyncadd.s32 $0xFFFFC000  }
.LBB2_2:
0x32: {  	v17 =	vmov s28  }
0x33: {  	v18 =	vmov s26;
	_ =	sdelay $0x2  }
0x34: {  	s0 =	simm.s32 $0x0  }
0x35: {  	v19 =	vld.idx.msk [tilespmem:v17+s0+$0xFFFFFF90 ss:$0x1], $0xffff  }
0x36: {  	v20 =	vld.idx.msk [tilespmem:v18+s0+$0xFFFFFFC0 ss:$0x1], $0xffff  }
0x37: {  	v21 =	vld.idx.msk [tilespmem:v18+s0+$0xFFFFFFD0 ss:$0x1], $0xffff  }
0x38: {  	v22 =	vld.idx.msk [tilespmem:v17+s0+$0xFFFFFFA0 ss:$0x1], $0xffff  }
0x39: {  	v23 =	vld.idx.msk [tilespmem:v18+s0+$0xFFFFFFE0 ss:$0x1], $0xffff  }
0x3a: {  	v24 =	vld.idx.msk [tilespmem:v17+s0+$0xFFFFFFB0 ss:$0x1], $0xffff  }
0x3b: {  	v25 =	vld.idx.msk [tilespmem:v18+s0+$0xFFFFFFF0 ss:$0x1], $0xffff  }
0x3c: {  	v26 =	vld.idx.msk [tilespmem:v17+s0+$0xFFFFFFC0 ss:$0x1], $0xffff  }
0x3d: {  	v27 =	vld.idx.msk [tilespmem:v18+s0+$0x0 ss:$0x1], $0xffff;
	v19 =	vmul.f32 v19, v20;
	v20 =	vmul.f32 v22, v21  }
0x3e: {  	v21 =	vld.idx.msk [tilespmem:v17+s0+$0xFFFFFFD0 ss:$0x1], $0xffff  }
0x3f: {  	v22 =	vld.idx.msk [tilespmem:v18+s0+$0x10 ss:$0x1], $0xffff;
	v19 =	vadd.f32 v20, v19;
	v20 =	vmul.f32 v24, v23  }
0x40: {  	v23 =	vld.idx.msk [tilespmem:v17+s0+$0xFFFFFFE0 ss:$0x1], $0xffff  }
0x41: {  	v61 =	vld.idx.msk [tilespmem:v18+s0+$0x20 ss:$0x1], $0xffff;
	v19 =	vadd.f32 v20, v19;
	v20 =	vmul.f32 v26, v25  }
0x42: {  	v62 =	vld.idx.msk [tilespmem:v17+s0+$0xFFFFFFF0 ss:$0x1], $0xffff  }
0x43: {  	v63 =	vld.idx.msk [tilespmem:v18+s0+$0x30 ss:$0x1], $0xffff;
	v19 =	vadd.f32 v20, v19;
	v20 =	vmul.f32 v21, v27  }
0x44: {  	v21 =	vld.idx.msk [tilespmem:v17+s0+$0x0 ss:$0x1], $0xffff  }
0x45: {  	v19 =	vadd.f32 v20, v19;
	v20 =	vmul.f32 v23, v22;
	_ =	sdelay $0x1  }
0x46: {  	v19 =	vadd.f32 v20, v19;
	v20 =	vmul.f32 v62, v61;
	_ =	sdelay $0x1  }
0x47: {  	v19 =	vadd.f32 v20, v19;
	v20 =	vmul.f32 v21, v63;
	_ =	sdelay $0x1  }
0x48: {  	v19 =	vadd.f32 v20, v19  }
0x49: {  	s12 =	simm.s32 $0x10A80  }
0x4a: {  	s18 =	simm.s32 $0x80;
	[tilespmem:s12+$0x0] =	vst v19  }
0x4b: {  	v19 =	vld.idx.msk [tilespmem:v17+s18+$0xFFFFFF90 ss:$0x1], $0xffff  }
0x4c: {  	v20 =	vld.idx.msk [tilespmem:v18+s18+$0xFFFFFFC0 ss:$0x1], $0xffff  }
0x4d: {  	s19 =	simm.s32 $0x400;
	s0 =	sshll.u32 s31, $0x4;
	v21 =	vld.idx.msk [tilespmem:v18+s18+$0xFFFFFFD0 ss:$0x1], $0xffff  }
.LBB2_3:
0x4e: {  	p0 =	sne.s32 s19, $0x1E00;
	v22 =	vld.idx.msk [tilespmem:v17+s18+$0xFFFFFFA0 ss:$0x1], $0xffff  }
0x4f: {  	v23 =	vld.idx.msk [tilespmem:v18+s18+$0xFFFFFFE0 ss:$0x1], $0xffff  }
0x50: {  	v24 =	vld.idx.msk [tilespmem:v17+s18+$0xFFFFFFB0 ss:$0x1], $0xffff  }
0x51: {  	v25 =	vld.idx.msk [tilespmem:v18+s18+$0xFFFFFFF0 ss:$0x1], $0xffff  }
0x52: {  	v26 =	vld.idx.msk [tilespmem:v17+s18+$0xFFFFFFC0 ss:$0x1], $0xffff  }
0x53: {  	v27 =	vld.idx.msk [tilespmem:v18+s18+$0x0 ss:$0x1], $0xffff  }
0x54: {  	v19 =	vmul.f32 v19, v20;
	v20 =	vmul.f32 v22, v21;
	v21 =	vld.idx.msk [tilespmem:v17+s18+$0xFFFFFFD0 ss:$0x1], $0xffff  }
0x55: {  	v22 =	vld.idx.msk [tilespmem:v18+s18+$0x10 ss:$0x1], $0xffff  }
0x56: {  	v19 =	vadd.f32 v20, v19;
	v20 =	vmul.f32 v24, v23;
	v23 =	vld.idx.msk [tilespmem:v17+s18+$0xFFFFFFE0 ss:$0x1], $0xffff  }
0x57: {  	v24 =	vld.idx.msk [tilespmem:v18+s18+$0x20 ss:$0x1], $0xffff  }
0x58: {  	v19 =	vadd.f32 v20, v19;
	v20 =	vmul.f32 v26, v25;
	v25 =	vld.idx.msk [tilespmem:v17+s18+$0xFFFFFFF0 ss:$0x1], $0xffff  }
0x59: {  	v26 =	vld.idx.msk [tilespmem:v18+s18+$0x30 ss:$0x1], $0xffff  }
0x5a: {  	v19 =	vadd.f32 v20, v19;
	v20 =	vmul.f32 v21, v27;
	v21 =	vld.idx.msk [tilespmem:v17+s18+$0x0 ss:$0x1], $0xffff;
	_ =	sdelay $0x1  }
0x5b: {  	v19 =	vadd.f32 v20, v19;
	v20 =	vmul.f32 v23, v22;
	_ =	sdelay $0x1  }
0x5c: {  	v19 =	vadd.f32 v20, v19;
	v20 =	vmul.f32 v25, v24;
	_ =	sdelay $0x1  }
0x5d: {  	v19 =	vadd.f32 v20, v19;
	v20 =	vmul.f32 v21, v26;
	_ =	sdelay $0x1  }
0x5e: {  	v19 =	vadd.f32 v20, v19  }
.Ltmp0:
0x5f: {  	s12 =	sadd.s32 $0x10, s12;
	(pc) =	sbr.rel @p0 .LBB2_3-.Ltmp0, $4  }
0x60: {  	s18 =	sshra.s32 s19, $0x2;
	[tilespmem:s12+$0x0] =	vst v19  }
0x61: {  	v19 =	vld.idx.msk [tilespmem:v17+s18+$0xFFFFFF90 ss:$0x1], $0xffff  }
0x62: {  	v20 =	vld.idx.msk [tilespmem:v18+s18+$0xFFFFFFC0 ss:$0x1], $0xffff  }
0x63: {  	s19 =	sadd.s32 $0x200, s19;
	v21 =	vld.idx.msk [tilespmem:v18+s18+$0xFFFFFFD0 ss:$0x1], $0xffff  }
0x64: {  	_ =	sdelay $0x3  }
0x65: {  	v22 =	vld.idx.msk [tilespmem:v17+s18+$0xFFFFFFA0 ss:$0x1], $0xffff  }
0x66: {  	v23 =	vld.idx.msk [tilespmem:v18+s18+$0xFFFFFFE0 ss:$0x1], $0xffff  }
0x67: {  	v24 =	vld.idx.msk [tilespmem:v17+s18+$0xFFFFFFB0 ss:$0x1], $0xffff  }
0x68: {  	v25 =	vld.idx.msk [tilespmem:v18+s18+$0xFFFFFFF0 ss:$0x1], $0xffff  }
0x69: {  	v26 =	vld.idx.msk [tilespmem:v17+s18+$0xFFFFFFC0 ss:$0x1], $0xffff  }
0x6a: {  	v27 =	vld.idx.msk [tilespmem:v18+s18+$0x0 ss:$0x1], $0xffff;
	v19 =	vmul.f32 v19, v20;
	v48 =	vmul.f32 v22, v21  }
0x6b: {  	v49 =	vld.idx.msk [tilespmem:v17+s18+$0xFFFFFFD0 ss:$0x1], $0xffff  }
0x6c: {  	v50 =	vld.idx.msk [tilespmem:v18+s18+$0x10 ss:$0x1], $0xffff;
	v51 =	vmul.f32 v24, v23;
	v19 =	vadd.f32 v48, v19  }
0x6d: {  	v52 =	vld.idx.msk [tilespmem:v17+s18+$0xFFFFFFE0 ss:$0x1], $0xffff  }
0x6e: {  	v53 =	vld.idx.msk [tilespmem:v18+s18+$0x20 ss:$0x1], $0xffff;
	v54 =	vmul.f32 v26, v25;
	v19 =	vadd.f32 v51, v19  }
0x6f: {  	v55 =	vld.idx.msk [tilespmem:v17+s18+$0xFFFFFFF0 ss:$0x1], $0xffff  }
0x70: {  	v18 =	vld.idx.msk [tilespmem:v18+s18+$0x30 ss:$0x1], $0xffff;
	v56 =	vmul.f32 v49, v27;
	v19 =	vadd.f32 v54, v19  }
0x71: {  	v17 =	vld.idx.msk [tilespmem:v17+s18+$0x0 ss:$0x1], $0xffff  }
0x72: {  	v57 =	vmul.f32 v52, v50;
	v19 =	vadd.f32 v56, v19;
	_ =	sdelay $0x1  }
0x73: {  	v58 =	vmul.f32 v55, v53;
	v19 =	vadd.f32 v57, v19;
	_ =	sdelay $0x1  }
0x74: {  	v17 =	vmul.f32 v17, v18;
	v19 =	vadd.f32 v58, v19;
	_ =	sdelay $0x1  }
0x75: {  	v17 =	vadd.f32 v17, v19  }
0x76: {  	s12 =	sadd.s32 $0x10, s12  }
0x77: {  	[tilespmem:s12+$0x0] =	vst v17  }
0x78: {  	v17 =	vld.idx.msk [tilespmem:v0+s25+$0x0], $0xffff  }
0x79: {  	v18 =	vld.idx.msk [tilespmem:v1+s25+$0x0], $0xffff;
	_ =	sdelay $0x1  }
0x7a: {  	v19 =	vld.idx.msk [tilespmem:v2+s25+$0x0], $0xffff;
	_ =	sdelay $0x1  }
0x7b: {  	v59 =	vld.idx.msk [tilespmem:v3+s25+$0x0], $0xffff  }
0x7c: {  	v17 =	vadd.f32 v18, v17  }
0x7d: {  	v18 =	vld.idx.msk [tilespmem:v4+s25+$0x0], $0xffff  }
0x7e: {  	v17 =	vadd.f32 v19, v17  }
0x7f: {  	v19 =	vld.idx.msk [tilespmem:v5+s25+$0x0], $0xffff  }
0x80: {  	v17 =	vadd.f32 v59, v17  }
0x81: {  	v60 =	vld.idx.msk [tilespmem:v6+s25+$0x0], $0xffff  }
0x82: {  	v17 =	vadd.f32 v18, v17  }
0x83: {  	v18 =	vld.idx.msk [tilespmem:v7+s25+$0x0], $0xffff  }
0x84: {  	v17 =	vadd.f32 v19, v17  }
0x85: {  	v19 =	vld.idx.msk [tilespmem:v8+s25+$0x0], $0xffff  }
0x86: {  	v17 =	vadd.f32 v60, v17  }
0x87: {  	v61 =	vld.idx.msk [tilespmem:v9+s25+$0x0], $0xffff  }
0x88: {  	v17 =	vadd.f32 v18, v17  }
0x89: {  	v18 =	vld.idx.msk [tilespmem:v10+s25+$0x0], $0xffff  }
0x8a: {  	v17 =	vadd.f32 v19, v17  }
0x8b: {  	v19 =	vld.idx.msk [tilespmem:v11+s25+$0x0], $0xffff  }
0x8c: {  	v17 =	vadd.f32 v61, v17  }
0x8d: {  	v62 =	vld.idx.msk [tilespmem:v12+s25+$0x0], $0xffff  }
0x8e: {  	v17 =	vadd.f32 v18, v17  }
0x8f: {  	v18 =	vld.idx.msk [tilespmem:v13+s25+$0x0], $0xffff  }
0x90: {  	v17 =	vadd.f32 v19, v17  }
0x91: {  	v19 =	vld.idx.msk [tilespmem:v14+s25+$0x0], $0xffff  }
0x92: {  	v17 =	vadd.f32 v62, v17  }
0x93: {  	v63 =	vld.idx.msk [tilespmem:v15+s25+$0x0], $0xffff  }
0x94: {  	s31 =	sadd.s32 $0x1, s31;
	v17 =	vadd.f32 v18, v17  }
0x95: {  	p0 =	sne.s32 s31, $0x8  }
.Ltmp1:
0x96: {  	v17 =	vadd.f32 v19, v17;
	(pc) =	sbr.rel @p0 .LBB2_2-.Ltmp1, $3  }
0x97: {  	_ = 	snop  }
0x98: {  	v17 =	vadd.f32 v63, v17;
	_ =	sdelay $0x1  }
0x99: {  	s26 =	sadd.s32 $0x800, s26;
	s28 =	sadd.s32 $0x800, s28;
	[tilespmem:s0+$0x10800] =	vst v17  }
0x9a: {  	s0 =	simm.s32 $0x10480  }
0x9b: {  	[tilespmem:s0], [sflag:$0x3] =	stream.indirect.gather [hbm4b:s3+s17], $0x1, s17, s17, $0xb8;
	[tilespmem:$0x10B80] =	vst v63  }
0x9c: {  	s26 =	simm.s32 $0x10680  }
0x9d: {  	[tilespmem:s26], [sflag:$0x3] =	stream.indirect.gather [hbm4b:s4+s17], $0x1, s21, s17, $0xb8;
	[tilespmem:$0x10B80] =	vst v63  }
0x9e: {  	s26 =	simm.s32 $0x400  }
0x9f: {  	[tilespmem:s26], [sflag:$0x1] =	stream.indirect.gather [hbm4b:s1+s17], $0x80, s29, s17, $0xb8;
	[tilespmem:$0x10B80] =	vst v63  }
0xa0: {  	s28 =	simm.s32 $0x8400  }
0xa1: {  	[tilespmem:s28], [sflag:$0x1] =	stream.indirect.gather [hbm4b:s2+s17], $0x80, s30, s17, $0xb8;
	[tilespmem:$0x10B80] =	vst v63  }
0xa2: {  	_ =	swait.ge [sflag:s15], $0x4000  }
0xa3: {  	[sflag:s15] =	ssyncset.done $0x0  }
0xa4: {  	[sflag:s15] =	ssyncadd.s32 $0xFFFFC000  }
0xa5: {  	_ =	swait.ge [sflag:s15], $0x4000  }
0xa6: {  	[sflag:s15] =	ssyncset.done $0x0  }
0xa7: {  	s31 =	simm.s32 $0x0;
	[sflag:s15] =	ssyncadd.s32 $0xFFFFC000  }
.LBB2_6:
0xa8: {  	v17 =	vmov s28  }
0xa9: {  	v18 =	vmov s26;
	_ =	sdelay $0x2  }
0xaa: {  	s0 =	simm.s32 $0x0  }
0xab: {  	v19 =	vld.idx.msk [tilespmem:v17+s0+$0x4000 ss:$0x1], $0xffff  }
0xac: {  	v20 =	vld.idx.msk [tilespmem:v18+s0+$0x4000 ss:$0x1], $0xffff  }
0xad: {  	v21 =	vld.idx.msk [tilespmem:v18+s0+$0x4010 ss:$0x1], $0xffff  }
0xae: {  	v22 =	vld.idx.msk [tilespmem:v17+s0+$0x4010 ss:$0x1], $0xffff  }
0xaf: {  	v23 =	vld.idx.msk [tilespmem:v18+s0+$0x4020 ss:$0x1], $0xffff  }
0xb0: {  	v24 =	vld.idx.msk [tilespmem:v17+s0+$0x4020 ss:$0x1], $0xffff  }
0xb1: {  	v25 =	vld.idx.msk [tilespmem:v18+s0+$0x4030 ss:$0x1], $0xffff  }
0xb2: {  	v26 =	vld.idx.msk [tilespmem:v17+s0+$0x4030 ss:$0x1], $0xffff  }
0xb3: {  	v27 =	vld.idx.msk [tilespmem:v18+s0+$0x4040 ss:$0x1], $0xffff;
	v19 =	vmul.f32 v19, v20;
	v20 =	vmul.f32 v22, v21  }
0xb4: {  	v21 =	vld.idx.msk [tilespmem:v17+s0+$0x4040 ss:$0x1], $0xffff  }
0xb5: {  	v22 =	vld.idx.msk [tilespmem:v18+s0+$0x4050 ss:$0x1], $0xffff;
	v19 =	vadd.f32 v20, v19;
	v20 =	vmul.f32 v24, v23  }
0xb6: {  	v23 =	vld.idx.msk [tilespmem:v17+s0+$0x4050 ss:$0x1], $0xffff  }
0xb7: {  	v61 =	vld.idx.msk [tilespmem:v18+s0+$0x4060 ss:$0x1], $0xffff;
	v19 =	vadd.f32 v20, v19;
	v20 =	vmul.f32 v26, v25  }
0xb8: {  	v62 =	vld.idx.msk [tilespmem:v17+s0+$0x4060 ss:$0x1], $0xffff  }
0xb9: {  	v63 =	vld.idx.msk [tilespmem:v18+s0+$0x4070 ss:$0x1], $0xffff;
	v19 =	vadd.f32 v20, v19;
	v20 =	vmul.f32 v21, v27  }
0xba: {  	v21 =	vld.idx.msk [tilespmem:v17+s0+$0x4070 ss:$0x1], $0xffff  }
0xbb: {  	v19 =	vadd.f32 v20, v19;
	v20 =	vmul.f32 v23, v22;
	_ =	sdelay $0x1  }
0xbc: {  	v19 =	vadd.f32 v20, v19;
	v20 =	vmul.f32 v62, v61;
	_ =	sdelay $0x1  }
0xbd: {  	v19 =	vadd.f32 v20, v19;
	v20 =	vmul.f32 v21, v63;
	_ =	sdelay $0x1  }
0xbe: {  	v19 =	vadd.f32 v20, v19  }
0xbf: {  	s12 =	simm.s32 $0x10A80  }
0xc0: {  	s18 =	simm.s32 $0x80;
	[tilespmem:s12+$0x0] =	vst v19  }
0xc1: {  	v19 =	vld.idx.msk [tilespmem:v17+s18+$0x4000 ss:$0x1], $0xffff  }
0xc2: {  	v20 =	vld.idx.msk [tilespmem:v18+s18+$0x4000 ss:$0x1], $0xffff  }
0xc3: {  	s19 =	simm.s32 $0x400;
	s0 =	sshll.u32 s31, $0x4;
	v21 =	vld.idx.msk [tilespmem:v18+s18+$0x4010 ss:$0x1], $0xffff  }
.LBB2_7:
0xc4: {  	p0 =	sne.s32 s19, $0x1E00;
	v22 =	vld.idx.msk [tilespmem:v17+s18+$0x4010 ss:$0x1], $0xffff  }
0xc5: {  	v23 =	vld.idx.msk [tilespmem:v18+s18+$0x4020 ss:$0x1], $0xffff  }
0xc6: {  	v24 =	vld.idx.msk [tilespmem:v17+s18+$0x4020 ss:$0x1], $0xffff  }
0xc7: {  	v25 =	vld.idx.msk [tilespmem:v18+s18+$0x4030 ss:$0x1], $0xffff  }
0xc8: {  	v26 =	vld.idx.msk [tilespmem:v17+s18+$0x4030 ss:$0x1], $0xffff  }
0xc9: {  	v27 =	vld.idx.msk [tilespmem:v18+s18+$0x4040 ss:$0x1], $0xffff  }
0xca: {  	v19 =	vmul.f32 v19, v20;
	v20 =	vmul.f32 v22, v21;
	v21 =	vld.idx.msk [tilespmem:v17+s18+$0x4040 ss:$0x1], $0xffff  }
0xcb: {  	v22 =	vld.idx.msk [tilespmem:v18+s18+$0x4050 ss:$0x1], $0xffff  }
0xcc: {  	v19 =	vadd.f32 v20, v19;
	v20 =	vmul.f32 v24, v23;
	v23 =	vld.idx.msk [tilespmem:v17+s18+$0x4050 ss:$0x1], $0xffff  }
0xcd: {  	v24 =	vld.idx.msk [tilespmem:v18+s18+$0x4060 ss:$0x1], $0xffff  }
0xce: {  	v19 =	vadd.f32 v20, v19;
	v20 =	vmul.f32 v26, v25;
	v25 =	vld.idx.msk [tilespmem:v17+s18+$0x4060 ss:$0x1], $0xffff  }
0xcf: {  	v26 =	vld.idx.msk [tilespmem:v18+s18+$0x4070 ss:$0x1], $0xffff  }
0xd0: {  	v19 =	vadd.f32 v20, v19;
	v20 =	vmul.f32 v21, v27;
	v21 =	vld.idx.msk [tilespmem:v17+s18+$0x4070 ss:$0x1], $0xffff;
	_ =	sdelay $0x1  }
0xd1: {  	v19 =	vadd.f32 v20, v19;
	v20 =	vmul.f32 v23, v22;
	_ =	sdelay $0x1  }
0xd2: {  	v19 =	vadd.f32 v20, v19;
	v20 =	vmul.f32 v25, v24;
	_ =	sdelay $0x1  }
0xd3: {  	v19 =	vadd.f32 v20, v19;
	v20 =	vmul.f32 v21, v26;
	_ =	sdelay $0x1  }
0xd4: {  	v19 =	vadd.f32 v20, v19  }
.Ltmp2:
0xd5: {  	s12 =	sadd.s32 $0x10, s12;
	(pc) =	sbr.rel @p0 .LBB2_7-.Ltmp2, $4  }
0xd6: {  	s18 =	sshra.s32 s19, $0x2;
	[tilespmem:s12+$0x0] =	vst v19  }
0xd7: {  	v19 =	vld.idx.msk [tilespmem:v17+s18+$0x4000 ss:$0x1], $0xffff  }
0xd8: {  	v20 =	vld.idx.msk [tilespmem:v18+s18+$0x4000 ss:$0x1], $0xffff  }
0xd9: {  	s19 =	sadd.s32 $0x200, s19;
	v21 =	vld.idx.msk [tilespmem:v18+s18+$0x4010 ss:$0x1], $0xffff  }
0xda: {  	_ =	sdelay $0x3  }
0xdb: {  	v22 =	vld.idx.msk [tilespmem:v17+s18+$0x4010 ss:$0x1], $0xffff  }
0xdc: {  	v23 =	vld.idx.msk [tilespmem:v18+s18+$0x4020 ss:$0x1], $0xffff  }
0xdd: {  	v24 =	vld.idx.msk [tilespmem:v17+s18+$0x4020 ss:$0x1], $0xffff  }
0xde: {  	v25 =	vld.idx.msk [tilespmem:v18+s18+$0x4030 ss:$0x1], $0xffff  }
0xdf: {  	v26 =	vld.idx.msk [tilespmem:v17+s18+$0x4030 ss:$0x1], $0xffff  }
0xe0: {  	v27 =	vld.idx.msk [tilespmem:v18+s18+$0x4040 ss:$0x1], $0xffff;
	v19 =	vmul.f32 v19, v20;
	v48 =	vmul.f32 v22, v21  }
0xe1: {  	v49 =	vld.idx.msk [tilespmem:v17+s18+$0x4040 ss:$0x1], $0xffff  }
0xe2: {  	v50 =	vld.idx.msk [tilespmem:v18+s18+$0x4050 ss:$0x1], $0xffff;
	v51 =	vmul.f32 v24, v23;
	v19 =	vadd.f32 v48, v19  }
0xe3: {  	v52 =	vld.idx.msk [tilespmem:v17+s18+$0x4050 ss:$0x1], $0xffff  }
0xe4: {  	v53 =	vld.idx.msk [tilespmem:v18+s18+$0x4060 ss:$0x1], $0xffff;
	v54 =	vmul.f32 v26, v25;
	v19 =	vadd.f32 v51, v19  }
0xe5: {  	v55 =	vld.idx.msk [tilespmem:v17+s18+$0x4060 ss:$0x1], $0xffff  }
0xe6: {  	v18 =	vld.idx.msk [tilespmem:v18+s18+$0x4070 ss:$0x1], $0xffff;
	v56 =	vmul.f32 v49, v27;
	v19 =	vadd.f32 v54, v19  }
0xe7: {  	v17 =	vld.idx.msk [tilespmem:v17+s18+$0x4070 ss:$0x1], $0xffff  }
0xe8: {  	v57 =	vmul.f32 v52, v50;
	v19 =	vadd.f32 v56, v19;
	_ =	sdelay $0x1  }
0xe9: {  	v58 =	vmul.f32 v55, v53;
	v19 =	vadd.f32 v57, v19;
	_ =	sdelay $0x1  }
0xea: {  	v17 =	vmul.f32 v17, v18;
	v19 =	vadd.f32 v58, v19;
	_ =	sdelay $0x1  }
0xeb: {  	v17 =	vadd.f32 v17, v19  }
0xec: {  	s12 =	sadd.s32 $0x10, s12  }
0xed: {  	[tilespmem:s12+$0x0] =	vst v17  }
0xee: {  	v17 =	vld.idx.msk [tilespmem:v0+s25+$0x0], $0xffff  }
0xef: {  	v18 =	vld.idx.msk [tilespmem:v1+s25+$0x0], $0xffff;
	_ =	sdelay $0x1  }
0xf0: {  	v19 =	vld.idx.msk [tilespmem:v2+s25+$0x0], $0xffff;
	_ =	sdelay $0x1  }
0xf1: {  	v59 =	vld.idx.msk [tilespmem:v3+s25+$0x0], $0xffff  }
0xf2: {  	v17 =	vadd.f32 v18, v17  }
0xf3: {  	v18 =	vld.idx.msk [tilespmem:v4+s25+$0x0], $0xffff  }
0xf4: {  	v17 =	vadd.f32 v19, v17  }
0xf5: {  	v19 =	vld.idx.msk [tilespmem:v5+s25+$0x0], $0xffff  }
0xf6: {  	v17 =	vadd.f32 v59, v17  }
0xf7: {  	v60 =	vld.idx.msk [tilespmem:v6+s25+$0x0], $0xffff  }
0xf8: {  	v17 =	vadd.f32 v18, v17  }
0xf9: {  	v18 =	vld.idx.msk [tilespmem:v7+s25+$0x0], $0xffff  }
0xfa: {  	v17 =	vadd.f32 v19, v17  }
0xfb: {  	v19 =	vld.idx.msk [tilespmem:v8+s25+$0x0], $0xffff  }
0xfc: {  	v17 =	vadd.f32 v60, v17  }
0xfd: {  	v61 =	vld.idx.msk [tilespmem:v9+s25+$0x0], $0xffff  }
0xfe: {  	v17 =	vadd.f32 v18, v17  }
0xff: {  	v18 =	vld.idx.msk [tilespmem:v10+s25+$0x0], $0xffff  }
0x100: {  	v17 =	vadd.f32 v19, v17  }
0x101: {  	v19 =	vld.idx.msk [tilespmem:v11+s25+$0x0], $0xffff  }
0x102: {  	v17 =	vadd.f32 v61, v17  }
0x103: {  	v62 =	vld.idx.msk [tilespmem:v12+s25+$0x0], $0xffff  }
0x104: {  	v17 =	vadd.f32 v18, v17  }
0x105: {  	v18 =	vld.idx.msk [tilespmem:v13+s25+$0x0], $0xffff  }
0x106: {  	v17 =	vadd.f32 v19, v17  }
0x107: {  	v19 =	vld.idx.msk [tilespmem:v14+s25+$0x0], $0xffff  }
0x108: {  	v17 =	vadd.f32 v62, v17  }
0x109: {  	v63 =	vld.idx.msk [tilespmem:v15+s25+$0x0], $0xffff  }
0x10a: {  	s31 =	sadd.s32 $0x1, s31;
	v17 =	vadd.f32 v18, v17  }
0x10b: {  	p0 =	sne.s32 s31, $0x8  }
.Ltmp3:
0x10c: {  	v17 =	vadd.f32 v19, v17;
	(pc) =	sbr.rel @p0 .LBB2_6-.Ltmp3, $3  }
0x10d: {  	_ = 	snop  }
0x10e: {  	v17 =	vadd.f32 v63, v17;
	_ =	sdelay $0x1  }
0x10f: {  	s26 =	sadd.s32 $0x800, s26;
	s28 =	sadd.s32 $0x800, s28;
	[tilespmem:s0+$0x10880] =	vst v17  }
0x110: {  	s0 =	simm.s32 $0x10500  }
0x111: {  	[tilespmem:s0], [sflag:$0x3] =	stream.indirect.gather [hbm4b:s3+s17], $0x1, s29, s17, $0xb8;
	[tilespmem:$0x10B80] =	vst v63  }
0x112: {  	s26 =	simm.s32 $0x10700  }
0x113: {  	[tilespmem:s26], [sflag:$0x3] =	stream.indirect.gather [hbm4b:s4+s17], $0x1, s30, s17, $0xb8;
	[tilespmem:$0x10B80] =	vst v63  }
0x114: {  	_ = 	snop  }
0x115: {  	[tilespmem:s20], [sflag:$0x2] =	stream.indirect.gather [hbm4b:s1+s17], $0x80, s6, s17, $0xb8;
	[tilespmem:$0x10B80] =	vst v63  }
0x116: {  	_ = 	snop  }
0x117: {  	[tilespmem:s22], [sflag:$0x2] =	stream.indirect.gather [hbm4b:s2+s17], $0x80, s5, s17, $0xb8;
	[tilespmem:$0x10B80] =	vst v63  }
0x118: {  	_ =	swait.ge [sflag:s14], $0x4000  }
0x119: {  	[sflag:s14] =	ssyncset.done $0x0  }
0x11a: {  	[sflag:s14] =	ssyncadd.s32 $0xFFFFC000  }
0x11b: {  	_ =	swait.ge [sflag:s14], $0x4000  }
0x11c: {  	s28 =	simm.s32 $0x440;
	[sflag:s14] =	ssyncset.done $0x0  }
0x11d: {  	s31 =	simm.s32 $0x8470;
	s26 =	simm.s32 $0x0;
	[sflag:s14] =	ssyncadd.s32 $0xFFFFC000  }
.LBB2_10:
0x11e: {  	v17 =	vmov s31  }
0x11f: {  	v18 =	vmov s28;
	_ =	sdelay $0x2  }
0x120: {  	s0 =	simm.s32 $0x0  }
0x121: {  	v19 =	vld.idx.msk [tilespmem:v17+s0+$0xFFFFFF90 ss:$0x1], $0xffff  }
0x122: {  	v20 =	vld.idx.msk [tilespmem:v18+s0+$0xFFFFFFC0 ss:$0x1], $0xffff  }
0x123: {  	v21 =	vld.idx.msk [tilespmem:v18+s0+$0xFFFFFFD0 ss:$0x1], $0xffff  }
0x124: {  	v22 =	vld.idx.msk [tilespmem:v17+s0+$0xFFFFFFA0 ss:$0x1], $0xffff  }
0x125: {  	v23 =	vld.idx.msk [tilespmem:v18+s0+$0xFFFFFFE0 ss:$0x1], $0xffff  }
0x126: {  	v24 =	vld.idx.msk [tilespmem:v17+s0+$0xFFFFFFB0 ss:$0x1], $0xffff  }
0x127: {  	v25 =	vld.idx.msk [tilespmem:v18+s0+$0xFFFFFFF0 ss:$0x1], $0xffff  }
0x128: {  	v26 =	vld.idx.msk [tilespmem:v17+s0+$0xFFFFFFC0 ss:$0x1], $0xffff  }
0x129: {  	v27 =	vld.idx.msk [tilespmem:v18+s0+$0x0 ss:$0x1], $0xffff;
	v19 =	vmul.f32 v19, v20;
	v20 =	vmul.f32 v22, v21  }
0x12a: {  	v21 =	vld.idx.msk [tilespmem:v17+s0+$0xFFFFFFD0 ss:$0x1], $0xffff  }
0x12b: {  	v22 =	vld.idx.msk [tilespmem:v18+s0+$0x10 ss:$0x1], $0xffff;
	v19 =	vadd.f32 v20, v19;
	v20 =	vmul.f32 v24, v23  }
0x12c: {  	v23 =	vld.idx.msk [tilespmem:v17+s0+$0xFFFFFFE0 ss:$0x1], $0xffff  }
0x12d: {  	v61 =	vld.idx.msk [tilespmem:v18+s0+$0x20 ss:$0x1], $0xffff;
	v19 =	vadd.f32 v20, v19;
	v20 =	vmul.f32 v26, v25  }
0x12e: {  	v62 =	vld.idx.msk [tilespmem:v17+s0+$0xFFFFFFF0 ss:$0x1], $0xffff  }
0x12f: {  	v63 =	vld.idx.msk [tilespmem:v18+s0+$0x30 ss:$0x1], $0xffff;
	v19 =	vadd.f32 v20, v19;
	v20 =	vmul.f32 v21, v27  }
0x130: {  	v21 =	vld.idx.msk [tilespmem:v17+s0+$0x0 ss:$0x1], $0xffff  }
0x131: {  	v19 =	vadd.f32 v20, v19;
	v20 =	vmul.f32 v23, v22;
	_ =	sdelay $0x1  }
0x132: {  	v19 =	vadd.f32 v20, v19;
	v20 =	vmul.f32 v62, v61;
	_ =	sdelay $0x1  }
0x133: {  	v19 =	vadd.f32 v20, v19;
	v20 =	vmul.f32 v21, v63;
	_ =	sdelay $0x1  }
0x134: {  	v19 =	vadd.f32 v20, v19  }
0x135: {  	s12 =	simm.s32 $0x10A80  }
0x136: {  	s18 =	simm.s32 $0x80;
	[tilespmem:s12+$0x0] =	vst v19  }
0x137: {  	v19 =	vld.idx.msk [tilespmem:v17+s18+$0xFFFFFF90 ss:$0x1], $0xffff  }
0x138: {  	v20 =	vld.idx.msk [tilespmem:v18+s18+$0xFFFFFFC0 ss:$0x1], $0xffff  }
0x139: {  	s19 =	simm.s32 $0x400;
	s0 =	sshll.u32 s26, $0x4;
	v21 =	vld.idx.msk [tilespmem:v18+s18+$0xFFFFFFD0 ss:$0x1], $0xffff  }
.LBB2_11:
0x13a: {  	p0 =	sne.s32 s19, $0x1E00;
	v22 =	vld.idx.msk [tilespmem:v17+s18+$0xFFFFFFA0 ss:$0x1], $0xffff  }
0x13b: {  	v23 =	vld.idx.msk [tilespmem:v18+s18+$0xFFFFFFE0 ss:$0x1], $0xffff  }
0x13c: {  	v24 =	vld.idx.msk [tilespmem:v17+s18+$0xFFFFFFB0 ss:$0x1], $0xffff  }
0x13d: {  	v25 =	vld.idx.msk [tilespmem:v18+s18+$0xFFFFFFF0 ss:$0x1], $0xffff  }
0x13e: {  	v26 =	vld.idx.msk [tilespmem:v17+s18+$0xFFFFFFC0 ss:$0x1], $0xffff  }
0x13f: {  	v27 =	vld.idx.msk [tilespmem:v18+s18+$0x0 ss:$0x1], $0xffff  }
0x140: {  	v19 =	vmul.f32 v19, v20;
	v20 =	vmul.f32 v22, v21;
	v21 =	vld.idx.msk [tilespmem:v17+s18+$0xFFFFFFD0 ss:$0x1], $0xffff  }
0x141: {  	v22 =	vld.idx.msk [tilespmem:v18+s18+$0x10 ss:$0x1], $0xffff  }
0x142: {  	v19 =	vadd.f32 v20, v19;
	v20 =	vmul.f32 v24, v23;
	v23 =	vld.idx.msk [tilespmem:v17+s18+$0xFFFFFFE0 ss:$0x1], $0xffff  }
0x143: {  	v24 =	vld.idx.msk [tilespmem:v18+s18+$0x20 ss:$0x1], $0xffff  }
0x144: {  	v19 =	vadd.f32 v20, v19;
	v20 =	vmul.f32 v26, v25;
	v25 =	vld.idx.msk [tilespmem:v17+s18+$0xFFFFFFF0 ss:$0x1], $0xffff  }
0x145: {  	v26 =	vld.idx.msk [tilespmem:v18+s18+$0x30 ss:$0x1], $0xffff  }
0x146: {  	v19 =	vadd.f32 v20, v19;
	v20 =	vmul.f32 v21, v27;
	v21 =	vld.idx.msk [tilespmem:v17+s18+$0x0 ss:$0x1], $0xffff;
	_ =	sdelay $0x1  }
0x147: {  	v19 =	vadd.f32 v20, v19;
	v20 =	vmul.f32 v23, v22;
	_ =	sdelay $0x1  }
0x148: {  	v19 =	vadd.f32 v20, v19;
	v20 =	vmul.f32 v25, v24;
	_ =	sdelay $0x1  }
0x149: {  	v19 =	vadd.f32 v20, v19;
	v20 =	vmul.f32 v21, v26;
	_ =	sdelay $0x1  }
0x14a: {  	v19 =	vadd.f32 v20, v19  }
.Ltmp4:
0x14b: {  	s12 =	sadd.s32 $0x10, s12;
	(pc) =	sbr.rel @p0 .LBB2_11-.Ltmp4, $4  }
0x14c: {  	s18 =	sshra.s32 s19, $0x2;
	[tilespmem:s12+$0x0] =	vst v19  }
0x14d: {  	v19 =	vld.idx.msk [tilespmem:v17+s18+$0xFFFFFF90 ss:$0x1], $0xffff  }
0x14e: {  	v20 =	vld.idx.msk [tilespmem:v18+s18+$0xFFFFFFC0 ss:$0x1], $0xffff  }
0x14f: {  	s19 =	sadd.s32 $0x200, s19;
	v21 =	vld.idx.msk [tilespmem:v18+s18+$0xFFFFFFD0 ss:$0x1], $0xffff  }
0x150: {  	_ =	sdelay $0x3  }
0x151: {  	v22 =	vld.idx.msk [tilespmem:v17+s18+$0xFFFFFFA0 ss:$0x1], $0xffff  }
0x152: {  	v23 =	vld.idx.msk [tilespmem:v18+s18+$0xFFFFFFE0 ss:$0x1], $0xffff  }
0x153: {  	v24 =	vld.idx.msk [tilespmem:v17+s18+$0xFFFFFFB0 ss:$0x1], $0xffff  }
0x154: {  	v25 =	vld.idx.msk [tilespmem:v18+s18+$0xFFFFFFF0 ss:$0x1], $0xffff  }
0x155: {  	v26 =	vld.idx.msk [tilespmem:v17+s18+$0xFFFFFFC0 ss:$0x1], $0xffff  }
0x156: {  	v27 =	vld.idx.msk [tilespmem:v18+s18+$0x0 ss:$0x1], $0xffff;
	v19 =	vmul.f32 v19, v20;
	v48 =	vmul.f32 v22, v21  }
0x157: {  	v49 =	vld.idx.msk [tilespmem:v17+s18+$0xFFFFFFD0 ss:$0x1], $0xffff  }
0x158: {  	v50 =	vld.idx.msk [tilespmem:v18+s18+$0x10 ss:$0x1], $0xffff;
	v51 =	vmul.f32 v24, v23;
	v19 =	vadd.f32 v48, v19  }
0x159: {  	v52 =	vld.idx.msk [tilespmem:v17+s18+$0xFFFFFFE0 ss:$0x1], $0xffff  }
0x15a: {  	v53 =	vld.idx.msk [tilespmem:v18+s18+$0x20 ss:$0x1], $0xffff;
	v54 =	vmul.f32 v26, v25;
	v19 =	vadd.f32 v51, v19  }
0x15b: {  	v55 =	vld.idx.msk [tilespmem:v17+s18+$0xFFFFFFF0 ss:$0x1], $0xffff  }
0x15c: {  	v18 =	vld.idx.msk [tilespmem:v18+s18+$0x30 ss:$0x1], $0xffff;
	v56 =	vmul.f32 v49, v27;
	v19 =	vadd.f32 v54, v19  }
0x15d: {  	v17 =	vld.idx.msk [tilespmem:v17+s18+$0x0 ss:$0x1], $0xffff  }
0x15e: {  	v57 =	vmul.f32 v52, v50;
	v19 =	vadd.f32 v56, v19;
	_ =	sdelay $0x1  }
0x15f: {  	v58 =	vmul.f32 v55, v53;
	v19 =	vadd.f32 v57, v19;
	_ =	sdelay $0x1  }
0x160: {  	v17 =	vmul.f32 v17, v18;
	v19 =	vadd.f32 v58, v19;
	_ =	sdelay $0x1  }
0x161: {  	v17 =	vadd.f32 v17, v19  }
0x162: {  	s12 =	sadd.s32 $0x10, s12  }
0x163: {  	[tilespmem:s12+$0x0] =	vst v17  }
0x164: {  	v17 =	vld.idx.msk [tilespmem:v0+s25+$0x0], $0xffff  }
0x165: {  	v18 =	vld.idx.msk [tilespmem:v1+s25+$0x0], $0xffff;
	_ =	sdelay $0x1  }
0x166: {  	v19 =	vld.idx.msk [tilespmem:v2+s25+$0x0], $0xffff;
	_ =	sdelay $0x1  }
0x167: {  	v59 =	vld.idx.msk [tilespmem:v3+s25+$0x0], $0xffff  }
0x168: {  	v17 =	vadd.f32 v18, v17  }
0x169: {  	v18 =	vld.idx.msk [tilespmem:v4+s25+$0x0], $0xffff  }
0x16a: {  	v17 =	vadd.f32 v19, v17  }
0x16b: {  	v19 =	vld.idx.msk [tilespmem:v5+s25+$0x0], $0xffff  }
0x16c: {  	v17 =	vadd.f32 v59, v17  }
0x16d: {  	v60 =	vld.idx.msk [tilespmem:v6+s25+$0x0], $0xffff  }
0x16e: {  	v17 =	vadd.f32 v18, v17  }
0x16f: {  	v18 =	vld.idx.msk [tilespmem:v7+s25+$0x0], $0xffff  }
0x170: {  	v17 =	vadd.f32 v19, v17  }
0x171: {  	v19 =	vld.idx.msk [tilespmem:v8+s25+$0x0], $0xffff  }
0x172: {  	v17 =	vadd.f32 v60, v17  }
0x173: {  	v61 =	vld.idx.msk [tilespmem:v9+s25+$0x0], $0xffff  }
0x174: {  	v17 =	vadd.f32 v18, v17  }
0x175: {  	v18 =	vld.idx.msk [tilespmem:v10+s25+$0x0], $0xffff  }
0x176: {  	v17 =	vadd.f32 v19, v17  }
0x177: {  	v19 =	vld.idx.msk [tilespmem:v11+s25+$0x0], $0xffff  }
0x178: {  	v17 =	vadd.f32 v61, v17  }
0x179: {  	v62 =	vld.idx.msk [tilespmem:v12+s25+$0x0], $0xffff  }
0x17a: {  	v17 =	vadd.f32 v18, v17  }
0x17b: {  	v18 =	vld.idx.msk [tilespmem:v13+s25+$0x0], $0xffff  }
0x17c: {  	v17 =	vadd.f32 v19, v17  }
0x17d: {  	v19 =	vld.idx.msk [tilespmem:v14+s25+$0x0], $0xffff  }
0x17e: {  	v17 =	vadd.f32 v62, v17  }
0x17f: {  	v63 =	vld.idx.msk [tilespmem:v15+s25+$0x0], $0xffff  }
0x180: {  	s26 =	sadd.s32 $0x1, s26;
	v17 =	vadd.f32 v18, v17  }
0x181: {  	p0 =	sne.s32 s26, $0x8  }
.Ltmp5:
0x182: {  	v17 =	vadd.f32 v19, v17;
	(pc) =	sbr.rel @p0 .LBB2_10-.Ltmp5, $3  }
0x183: {  	_ = 	snop  }
0x184: {  	v17 =	vadd.f32 v63, v17;
	_ =	sdelay $0x1  }
0x185: {  	s28 =	sadd.s32 $0x800, s28;
	s31 =	sadd.s32 $0x800, s31;
	[tilespmem:s0+$0x10900] =	vst v17  }
0x186: {  	s0 =	simm.s32 $0x10580  }
0x187: {  	[tilespmem:s0], [sflag:$0x3] =	stream.indirect.gather [hbm4b:s3+s17], $0x1, s6, s17, $0xb8;
	[tilespmem:$0x10B80] =	vst v63  }
0x188: {  	s26 =	simm.s32 $0x10780  }
0x189: {  	[tilespmem:s26], [sflag:$0x3] =	stream.indirect.gather [hbm4b:s4+s17], $0x1, s5, s17, $0xb8;
	[tilespmem:$0x10B80] =	vst v63  }
0x18a: {  	_ =	swait.ge [sflag:s15], $0x4000  }
0x18b: {  	[sflag:s15] =	ssyncset.done $0x0  }
0x18c: {  	[sflag:s15] =	ssyncadd.s32 $0xFFFFC000  }
0x18d: {  	_ =	swait.ge [sflag:s15], $0x4000  }
0x18e: {  	s28 =	simm.s32 $0x400;
	[sflag:s15] =	ssyncset.done $0x0  }
0x18f: {  	s31 =	simm.s32 $0x8400;
	s26 =	simm.s32 $0x0;
	[sflag:s15] =	ssyncadd.s32 $0xFFFFC000  }
.LBB2_14:
0x190: {  	v17 =	vmov s31  }
0x191: {  	v18 =	vmov s28;
	_ =	sdelay $0x2  }
0x192: {  	s0 =	simm.s32 $0x0  }
0x193: {  	v19 =	vld.idx.msk [tilespmem:v17+s0+$0x4000 ss:$0x1], $0xffff  }
0x194: {  	v20 =	vld.idx.msk [tilespmem:v18+s0+$0x4000 ss:$0x1], $0xffff  }
0x195: {  	v21 =	vld.idx.msk [tilespmem:v18+s0+$0x4010 ss:$0x1], $0xffff  }
0x196: {  	v22 =	vld.idx.msk [tilespmem:v17+s0+$0x4010 ss:$0x1], $0xffff  }
0x197: {  	v23 =	vld.idx.msk [tilespmem:v18+s0+$0x4020 ss:$0x1], $0xffff  }
0x198: {  	v24 =	vld.idx.msk [tilespmem:v17+s0+$0x4020 ss:$0x1], $0xffff  }
0x199: {  	v25 =	vld.idx.msk [tilespmem:v18+s0+$0x4030 ss:$0x1], $0xffff  }
0x19a: {  	v26 =	vld.idx.msk [tilespmem:v17+s0+$0x4030 ss:$0x1], $0xffff  }
0x19b: {  	v27 =	vld.idx.msk [tilespmem:v18+s0+$0x4040 ss:$0x1], $0xffff;
	v19 =	vmul.f32 v19, v20;
	v20 =	vmul.f32 v22, v21  }
0x19c: {  	v21 =	vld.idx.msk [tilespmem:v17+s0+$0x4040 ss:$0x1], $0xffff  }
0x19d: {  	v22 =	vld.idx.msk [tilespmem:v18+s0+$0x4050 ss:$0x1], $0xffff;
	v19 =	vadd.f32 v20, v19;
	v20 =	vmul.f32 v24, v23  }
0x19e: {  	v23 =	vld.idx.msk [tilespmem:v17+s0+$0x4050 ss:$0x1], $0xffff  }
0x19f: {  	v61 =	vld.idx.msk [tilespmem:v18+s0+$0x4060 ss:$0x1], $0xffff;
	v19 =	vadd.f32 v20, v19;
	v20 =	vmul.f32 v26, v25  }
0x1a0: {  	v62 =	vld.idx.msk [tilespmem:v17+s0+$0x4060 ss:$0x1], $0xffff  }
0x1a1: {  	v63 =	vld.idx.msk [tilespmem:v18+s0+$0x4070 ss:$0x1], $0xffff;
	v19 =	vadd.f32 v20, v19;
	v20 =	vmul.f32 v21, v27  }
0x1a2: {  	v21 =	vld.idx.msk [tilespmem:v17+s0+$0x4070 ss:$0x1], $0xffff  }
0x1a3: {  	v19 =	vadd.f32 v20, v19;
	v20 =	vmul.f32 v23, v22;
	_ =	sdelay $0x1  }
0x1a4: {  	v19 =	vadd.f32 v20, v19;
	v20 =	vmul.f32 v62, v61;
	_ =	sdelay $0x1  }
0x1a5: {  	v19 =	vadd.f32 v20, v19;
	v20 =	vmul.f32 v21, v63;
	_ =	sdelay $0x1  }
0x1a6: {  	v19 =	vadd.f32 v20, v19  }
0x1a7: {  	s12 =	simm.s32 $0x10A80  }
0x1a8: {  	s18 =	simm.s32 $0x80;
	[tilespmem:s12+$0x0] =	vst v19  }
0x1a9: {  	v19 =	vld.idx.msk [tilespmem:v17+s18+$0x4000 ss:$0x1], $0xffff  }
0x1aa: {  	v20 =	vld.idx.msk [tilespmem:v18+s18+$0x4000 ss:$0x1], $0xffff  }
0x1ab: {  	s19 =	simm.s32 $0x400;
	s0 =	sshll.u32 s26, $0x4;
	v21 =	vld.idx.msk [tilespmem:v18+s18+$0x4010 ss:$0x1], $0xffff  }
.LBB2_15:
0x1ac: {  	p0 =	sne.s32 s19, $0x1E00;
	v22 =	vld.idx.msk [tilespmem:v17+s18+$0x4010 ss:$0x1], $0xffff  }
0x1ad: {  	v23 =	vld.idx.msk [tilespmem:v18+s18+$0x4020 ss:$0x1], $0xffff  }
0x1ae: {  	v24 =	vld.idx.msk [tilespmem:v17+s18+$0x4020 ss:$0x1], $0xffff  }
0x1af: {  	v25 =	vld.idx.msk [tilespmem:v18+s18+$0x4030 ss:$0x1], $0xffff  }
0x1b0: {  	v26 =	vld.idx.msk [tilespmem:v17+s18+$0x4030 ss:$0x1], $0xffff  }
0x1b1: {  	v27 =	vld.idx.msk [tilespmem:v18+s18+$0x4040 ss:$0x1], $0xffff  }
0x1b2: {  	v19 =	vmul.f32 v19, v20;
	v20 =	vmul.f32 v22, v21;
	v21 =	vld.idx.msk [tilespmem:v17+s18+$0x4040 ss:$0x1], $0xffff  }
0x1b3: {  	v22 =	vld.idx.msk [tilespmem:v18+s18+$0x4050 ss:$0x1], $0xffff  }
0x1b4: {  	v19 =	vadd.f32 v20, v19;
	v20 =	vmul.f32 v24, v23;
	v23 =	vld.idx.msk [tilespmem:v17+s18+$0x4050 ss:$0x1], $0xffff  }
0x1b5: {  	v24 =	vld.idx.msk [tilespmem:v18+s18+$0x4060 ss:$0x1], $0xffff  }
0x1b6: {  	v19 =	vadd.f32 v20, v19;
	v20 =	vmul.f32 v26, v25;
	v25 =	vld.idx.msk [tilespmem:v17+s18+$0x4060 ss:$0x1], $0xffff  }
0x1b7: {  	v26 =	vld.idx.msk [tilespmem:v18+s18+$0x4070 ss:$0x1], $0xffff  }
0x1b8: {  	v19 =	vadd.f32 v20, v19;
	v20 =	vmul.f32 v21, v27;
	v21 =	vld.idx.msk [tilespmem:v17+s18+$0x4070 ss:$0x1], $0xffff;
	_ =	sdelay $0x1  }
0x1b9: {  	v19 =	vadd.f32 v20, v19;
	v20 =	vmul.f32 v23, v22;
	_ =	sdelay $0x1  }
0x1ba: {  	v19 =	vadd.f32 v20, v19;
	v20 =	vmul.f32 v25, v24;
	_ =	sdelay $0x1  }
0x1bb: {  	v19 =	vadd.f32 v20, v19;
	v20 =	vmul.f32 v21, v26;
	_ =	sdelay $0x1  }
0x1bc: {  	v19 =	vadd.f32 v20, v19  }
.Ltmp6:
0x1bd: {  	s12 =	sadd.s32 $0x10, s12;
	(pc) =	sbr.rel @p0 .LBB2_15-.Ltmp6, $4  }
0x1be: {  	s18 =	sshra.s32 s19, $0x2;
	[tilespmem:s12+$0x0] =	vst v19  }
0x1bf: {  	v19 =	vld.idx.msk [tilespmem:v17+s18+$0x4000 ss:$0x1], $0xffff  }
0x1c0: {  	v20 =	vld.idx.msk [tilespmem:v18+s18+$0x4000 ss:$0x1], $0xffff  }
0x1c1: {  	s19 =	sadd.s32 $0x200, s19;
	v21 =	vld.idx.msk [tilespmem:v18+s18+$0x4010 ss:$0x1], $0xffff  }
0x1c2: {  	_ =	sdelay $0x3  }
0x1c3: {  	v22 =	vld.idx.msk [tilespmem:v17+s18+$0x4010 ss:$0x1], $0xffff  }
0x1c4: {  	v23 =	vld.idx.msk [tilespmem:v18+s18+$0x4020 ss:$0x1], $0xffff  }
0x1c5: {  	v24 =	vld.idx.msk [tilespmem:v17+s18+$0x4020 ss:$0x1], $0xffff  }
0x1c6: {  	v25 =	vld.idx.msk [tilespmem:v18+s18+$0x4030 ss:$0x1], $0xffff  }
0x1c7: {  	v26 =	vld.idx.msk [tilespmem:v17+s18+$0x4030 ss:$0x1], $0xffff  }
0x1c8: {  	v27 =	vld.idx.msk [tilespmem:v18+s18+$0x4040 ss:$0x1], $0xffff;
	v19 =	vmul.f32 v19, v20;
	v48 =	vmul.f32 v22, v21  }
0x1c9: {  	v49 =	vld.idx.msk [tilespmem:v17+s18+$0x4040 ss:$0x1], $0xffff  }
0x1ca: {  	v50 =	vld.idx.msk [tilespmem:v18+s18+$0x4050 ss:$0x1], $0xffff;
	v51 =	vmul.f32 v24, v23;
	v19 =	vadd.f32 v48, v19  }
0x1cb: {  	v52 =	vld.idx.msk [tilespmem:v17+s18+$0x4050 ss:$0x1], $0xffff  }
0x1cc: {  	v53 =	vld.idx.msk [tilespmem:v18+s18+$0x4060 ss:$0x1], $0xffff;
	v54 =	vmul.f32 v26, v25;
	v19 =	vadd.f32 v51, v19  }
0x1cd: {  	v55 =	vld.idx.msk [tilespmem:v17+s18+$0x4060 ss:$0x1], $0xffff  }
0x1ce: {  	v18 =	vld.idx.msk [tilespmem:v18+s18+$0x4070 ss:$0x1], $0xffff;
	v56 =	vmul.f32 v49, v27;
	v19 =	vadd.f32 v54, v19  }
0x1cf: {  	v17 =	vld.idx.msk [tilespmem:v17+s18+$0x4070 ss:$0x1], $0xffff  }
0x1d0: {  	v57 =	vmul.f32 v52, v50;
	v19 =	vadd.f32 v56, v19;
	_ =	sdelay $0x1  }
0x1d1: {  	v58 =	vmul.f32 v55, v53;
	v19 =	vadd.f32 v57, v19;
	_ =	sdelay $0x1  }
0x1d2: {  	v17 =	vmul.f32 v17, v18;
	v19 =	vadd.f32 v58, v19;
	_ =	sdelay $0x1  }
0x1d3: {  	v17 =	vadd.f32 v17, v19  }
0x1d4: {  	s12 =	sadd.s32 $0x10, s12  }
0x1d5: {  	[tilespmem:s12+$0x0] =	vst v17  }
0x1d6: {  	v17 =	vld.idx.msk [tilespmem:v0+s25+$0x0], $0xffff  }
0x1d7: {  	v18 =	vld.idx.msk [tilespmem:v1+s25+$0x0], $0xffff;
	_ =	sdelay $0x1  }
0x1d8: {  	v19 =	vld.idx.msk [tilespmem:v2+s25+$0x0], $0xffff;
	_ =	sdelay $0x1  }
0x1d9: {  	v59 =	vld.idx.msk [tilespmem:v3+s25+$0x0], $0xffff  }
0x1da: {  	v17 =	vadd.f32 v18, v17  }
0x1db: {  	v18 =	vld.idx.msk [tilespmem:v4+s25+$0x0], $0xffff  }
0x1dc: {  	v17 =	vadd.f32 v19, v17  }
0x1dd: {  	v19 =	vld.idx.msk [tilespmem:v5+s25+$0x0], $0xffff  }
0x1de: {  	v17 =	vadd.f32 v59, v17  }
0x1df: {  	v60 =	vld.idx.msk [tilespmem:v6+s25+$0x0], $0xffff  }
0x1e0: {  	v17 =	vadd.f32 v18, v17  }
0x1e1: {  	v18 =	vld.idx.msk [tilespmem:v7+s25+$0x0], $0xffff  }
0x1e2: {  	v17 =	vadd.f32 v19, v17  }
0x1e3: {  	v19 =	vld.idx.msk [tilespmem:v8+s25+$0x0], $0xffff  }
0x1e4: {  	v17 =	vadd.f32 v60, v17  }
0x1e5: {  	v61 =	vld.idx.msk [tilespmem:v9+s25+$0x0], $0xffff  }
0x1e6: {  	v17 =	vadd.f32 v18, v17  }
0x1e7: {  	v18 =	vld.idx.msk [tilespmem:v10+s25+$0x0], $0xffff  }
0x1e8: {  	v17 =	vadd.f32 v19, v17  }
0x1e9: {  	v19 =	vld.idx.msk [tilespmem:v11+s25+$0x0], $0xffff  }
0x1ea: {  	v17 =	vadd.f32 v61, v17  }
0x1eb: {  	v62 =	vld.idx.msk [tilespmem:v12+s25+$0x0], $0xffff  }
0x1ec: {  	v17 =	vadd.f32 v18, v17  }
0x1ed: {  	v18 =	vld.idx.msk [tilespmem:v13+s25+$0x0], $0xffff  }
0x1ee: {  	v17 =	vadd.f32 v19, v17  }
0x1ef: {  	v19 =	vld.idx.msk [tilespmem:v14+s25+$0x0], $0xffff  }
0x1f0: {  	v17 =	vadd.f32 v62, v17  }
0x1f1: {  	v63 =	vld.idx.msk [tilespmem:v15+s25+$0x0], $0xffff  }
0x1f2: {  	s26 =	sadd.s32 $0x1, s26;
	v17 =	vadd.f32 v18, v17  }
0x1f3: {  	p0 =	sne.s32 s26, $0x8  }
.Ltmp7:
0x1f4: {  	v17 =	vadd.f32 v19, v17;
	(pc) =	sbr.rel @p0 .LBB2_14-.Ltmp7, $3  }
0x1f5: {  	_ = 	snop  }
0x1f6: {  	v17 =	vadd.f32 v63, v17;
	_ =	sdelay $0x1  }
0x1f7: {  	s28 =	sadd.s32 $0x800, s28;
	s31 =	sadd.s32 $0x800, s31;
	[tilespmem:s0+$0x10980] =	vst v17  }
0x1f8: {  	_ =	swait.ge [sflag:s16], $0x80  }
0x1f9: {  	[sflag:s16] =	ssyncset.done $0x0  }
0x1fa: {  	[sflag:s16] =	ssyncadd.s32 $0xFFFFFF80  }
0x1fb: {  	_ =	swait.ge [sflag:s16], $0x80  }
0x1fc: {  	[sflag:s16] =	ssyncset.done $0x0  }
0x1fd: {  	[sflag:s16] =	ssyncadd.s32 $0xFFFFFF80  }
0x1fe: {  	_ =	swait.ge [sflag:s16], $0x80  }
0x1ff: {  	[sflag:s16] =	ssyncset.done $0x0  }
0x200: {  	[sflag:s16] =	ssyncadd.s32 $0xFFFFFF80  }
0x201: {  	_ =	swait.ge [sflag:s16], $0x80  }
0x202: {  	[sflag:s16] =	ssyncset.done $0x0  }
0x203: {  	[sflag:s16] =	ssyncadd.s32 $0xFFFFFF80  }
0x204: {  	_ =	swait.ge [sflag:s16], $0x80  }
0x205: {  	[sflag:s16] =	ssyncset.done $0x0  }
0x206: {  	[sflag:s16] =	ssyncadd.s32 $0xFFFFFF80  }
0x207: {  	_ =	swait.ge [sflag:s16], $0x80  }
0x208: {  	[sflag:s16] =	ssyncset.done $0x0  }
0x209: {  	[sflag:s16] =	ssyncadd.s32 $0xFFFFFF80  }
0x20a: {  	_ =	swait.ge [sflag:s16], $0x80  }
0x20b: {  	[sflag:s16] =	ssyncset.done $0x0  }
0x20c: {  	[sflag:s16] =	ssyncadd.s32 $0xFFFFFF80  }
0x20d: {  	_ =	swait.ge [sflag:s16], $0x80  }
0x20e: {  	[sflag:s16] =	ssyncset.done $0x0  }
0x20f: {  	s0 =	simm.s32 $0x0;
	[sflag:s16] =	ssyncadd.s32 $0xFFFFFF80  }
0x210: {  	v16 =	vbroadcast v16, $0x0;
	s12 =	simm.s32 $0x40;
	v17 =	vld [tilespmem:s0+$0x10400]  }
.LBB2_18:
0x211: {  	p0 =	sne.s32 s12, $0x7C0;
	v18 =	vld [tilespmem:s0+$0x10800];
	_ =	sdelay $0x1  }
0x212: {  	v19 =	vld [tilespmem:s0+$0x10600];
	_ =	sdelay $0x2  }
0x213: {  	v17 =	vadd.f32 v17, v18;
	_ =	sdelay $0x1  }
.Ltmp8:
0x214: {  	v17 =	vadd.f32 v19, v17;
	(pc) =	sbr.rel @p0 .LBB2_18-.Ltmp8, $4  }
0x215: {  	_ = 	snop  }
0x216: {  	v18 =	vadd.f32 v17, v16  }
0x217: {  	s18 =	sshra.s32 s12, $0x2  }
0x218: {  	s12 =	sadd.s32 $0x40, s12;
	v17 =	vld [tilespmem:s18+$0x10400];
	[tilespmem:s0+$0x10800] =	vst v18;
	s0 =	smov.u32 s18  }
0x219: {  	v18 =	vld [tilespmem:s0+$0x10800];
	_ =	sdelay $0x1  }
0x21a: {  	v19 =	vld [tilespmem:s0+$0x10600];
	_ =	sdelay $0x2  }
0x21b: {  	v17 =	vadd.f32 v17, v18;
	_ =	sdelay $0x1  }
0x21c: {  	v17 =	vadd.f32 v19, v17;
	_ =	sdelay $0x1  }
0x21d: {  	s24 =	sadd.s32 $0x1, s24;
	v16 =	vadd.f32 v17, v16  }
0x21e: {  	p0 =	sne.s32 s24, s11  }
.Ltmp9:
0x21f: {  	s31 =	simm.s32 $0x10800;
	[tilespmem:s0+$0x10800] =	vst v16;
	(pc) =	sbr.rel @p0 .LBB2_1-.Ltmp9, $4  }
0x220: {  	[hbm4b:s10+s7] =	stream.linear.scatter [tilespmem:s31], [sflag:$0x4], $0x200, $0x38;
	[tilespmem:$0x10B80] =	vst v63  }
0x221: {  	_ =	swait.ge [sflag:s23], $0x200  }
0x222: {  	[sflag:s23] =	ssyncset.done $0x0  }
0x223: {  	[sflag:s23] =	ssyncadd.s32 $0xFFFFFE00  }
0x224: {  	_ =	sfence.sel $0x180000  }
0x225: {  	[bflag:$0x0] =	sbarrier.arrive $0xFFFF  }
0x226: {  	_ =	strace $0x90000047  }
0x227: {  	s0 =	stileid.u32;
	[bflag:$0x2] =	sbarrier.arrive $0xFFFF  }
0x228: {  	p0 =	sne.s32 s0, $0x0;
	s0 =	rddreg [dreg:$0x8]  }
0x229: {  	s0 =	sadd.s32 @!p0 $0x100000, s0  }
0x22a: {  	[sflag:s0] =	ssyncadd.tile.s32 @!p0 $0x1;
	_ =	shalt  }
.Lfunc_end2:
_tile_overlayer_lowered:
.L_overlay_start_2:
0x22b: {  	(tag) =	ssettag $0x2  }
0x22c: {  	s0 =	rddreg [dreg:$0x0];
	s2 =	stileid.u32  }
0x22d: {  	s1 =	rddreg [dreg:$0x1];
	p0 =	sne.s32 s2, $0x0  }
0x22e: {  	s3 =	rddreg [dreg:$0x2];
	[bflag:$0x3] =	sbarrier.arrive $0xFFFF;
	s2 =	simm.s32 @!p0 $0x1C04  }
0x22f: {  	[timem:s3], [sflag:s2] =	dma.local @!p0 [hbm:s0], s1  }
0x230: {  	s0 =	simm.s32 @!p0 $0x4  }
0x231: {  	_ =	swait.ge @!p0 [sflag:s0], s1  }
0x232: {  	s1 =	ssub.s32 @!p0 $0x0, s1;
	[sflag:s0] =	ssyncset.done @!p0 $0x0  }
0x233: {  	[sflag:s0] =	ssyncadd.s32 @!p0 s1  }
0x234: {  	[bflag:$0x3] =	sbarrier.arrive $0xFFFF  }
0x235: {  	_ =	shalt  }

</sc_bundles>
